<compile_context>
chip_gen: v7x
topology: tpu7x:2x2x1
jax: 0.10.2.dev20260603
libtpu: 0.0.44.dev20260713+nightly
codegen_flags: <defaults>
</compile_context>

<pallas_src>
import functools

import jax
import jax.numpy as jnp
import numpy as np
from jax import lax
from jax.experimental import pallas as pl
from jax.experimental.pallas import tpu as pltpu
from jax.experimental.pallas import tpu_sc as plsc

HIDDEN = 128
INPUT_DIM = 768
HL = 64
NB = 8
T = 128
N = 512
E = 100000
EPAD = 100352
NTILES = 16
CHUNK = EPAD // NTILES
ROWS = CHUNK // 128
TBL = N * N
NC = 2
RPC = 6 // NC
SC_TBL = RPC * TBL
SEG = SC_TBL // NTILES



def _count_body(src_hbm, dst_hbm, zeros_hbm, ones_hbm, out_hbm,
                src_v, dst_v, idx_v, ones_v, rb_v, table_sh, sem):
    del sem
    cid = lax.axis_index("c")
    sid = lax.axis_index("s")

    pltpu.sync_copy(zeros_hbm, rb_v)
    pltpu.sync_copy(ones_hbm, ones_v)
    pltpu.sync_copy(rb_v, table_sh.at[pl.ds(sid * SEG, SEG)])
    plsc.subcore_barrier()

    for rl in range(RPC):
        off = pl.multiple_of((cid * RPC + rl) * EPAD + sid * CHUNK, 128)
        pltpu.sync_copy(src_hbm.at[pl.ds(off, CHUNK)], src_v)
        pltpu.sync_copy(dst_hbm.at[pl.ds(off, CHUNK)], dst_v)
        base = rl * TBL

        def row_body(j, _):
            for u in range(8):
                s16 = src_v[pl.ds(j * 128 + u * 16, 16)]
                d16 = dst_v[pl.ds(j * 128 + u * 16, 16)]
                idx_v[pl.ds(j * 128 + u * 16, 16)] = d16 * N + s16 + base
            return 0

        lax.fori_loop(0, ROWS, row_body, 0)
        pltpu.sync_copy(ones_v, table_sh.at[idx_v], add=True)

    plsc.subcore_barrier()
    pltpu.sync_copy(table_sh.at[pl.ds(sid * SEG, SEG)], rb_v)
    out_off = pl.multiple_of(cid * SC_TBL + sid * SEG, 128)
    pltpu.sync_copy(rb_v, out_hbm.at[pl.ds(out_off, SEG)])


def _count_tables(src_all, dst_all):
    mesh = plsc.VectorSubcoreMesh(core_axis_name="c", subcore_axis_name="s",
                                  num_cores=NC)
    k = functools.partial(
        pl.kernel,
        out_type=jax.ShapeDtypeStruct((NC * SC_TBL,), jnp.float32),
        mesh=mesh,
        scratch_types=[
            pltpu.VMEM((CHUNK,), jnp.int32),
            pltpu.VMEM((CHUNK,), jnp.int32),
            pltpu.VMEM((CHUNK,), jnp.int32),
            pltpu.VMEM((CHUNK,), jnp.float32),
            pltpu.VMEM((SEG,), jnp.float32),
            pltpu.MemorySpace.VMEM_SHARED((SC_TBL + 128,), jnp.float32),
            pltpu.SemaphoreType.DMA,
        ],
    )(_count_body)
    flat = k(src_all, dst_all,
             jnp.zeros((SEG,), jnp.float32),
             jnp.ones((CHUNK,), jnp.float32))
    return flat.reshape(6 * N, N)


def _pad_rel(edges, r_local):
    pad = EPAD - E
    src = jnp.concatenate([edges[0], jnp.zeros((pad,), jnp.int32)])
    dst = jnp.concatenate(
        [edges[1], jnp.full((pad,), (RPC - r_local) * N, jnp.int32)])
    return src, dst



def _lstm_body(xt_ref, af_ref, ab_ref, wbig_ref, bf_ref, bb_ref,
               out_ref, xpf, xpb, tm):
    xt = xt_ref[...]
    xpf[...] = jnp.dot(xt, af_ref[...],
                       preferred_element_type=jnp.float32) + bf_ref[...]
    xpb[...] = jnp.dot(xt, ab_ref[...],
                       preferred_element_type=jnp.float32) + bb_ref[...]

    def step(s, carry):
        h, c = carry
        xf = xpf[pl.ds(s * NB, NB), :]
        xb = xpb[pl.ds((T - 1 - s) * NB, NB), :]
        gates = jnp.dot(h, wbig_ref[...],
                        preferred_element_type=jnp.float32) + xf + xb
        ig = jax.nn.sigmoid(gates[:, 0:128])
        fg = jax.nn.sigmoid(gates[:, 128:256])
        gg = jnp.tanh(gates[:, 256:384])
        og = jax.nn.sigmoid(gates[:, 384:512])
        c2 = fg * c + ig * gg
        h2 = og * jnp.tanh(c2)
        tm[s, :, 0:64] = h2[:, 0:64]
        tm[T - 1 - s, :, 64:128] = h2[:, 64:128]
        return h2, c2

    z = jnp.zeros((NB, HIDDEN), jnp.float32)
    lax.fori_loop(0, T, step, (z, z))

    lstm = tm[...]
    for b in range(NB):
        out_ref[pl.ds(b * T, T), :] = lstm[:, b, :]


def _run_lstm(review_input, reply_input, W_ih_f, W_hh_f, b_f,
              W_ih_b, W_hh_b, b_b):
    x = jnp.concatenate([review_input, reply_input], axis=0)
    xt = jnp.transpose(x, (1, 0, 2)).reshape(T * NB, INPUT_DIM)

    z64 = jnp.zeros((INPUT_DIM, 4, HL), jnp.float32)
    af = jnp.concatenate([W_ih_f.T.reshape(INPUT_DIM, 4, HL), z64],
                         axis=2).reshape(INPUT_DIM, 512)
    ab = jnp.concatenate([z64, W_ih_b.T.reshape(INPUT_DIM, 4, HL)],
                         axis=2).reshape(INPUT_DIM, 512)
    zh = jnp.zeros((HL, 4, HL), jnp.float32)
    wtop = jnp.concatenate([W_hh_f.T.reshape(HL, 4, HL), zh], axis=2)
    wbot = jnp.concatenate([zh, W_hh_b.T.reshape(HL, 4, HL)], axis=2)
    wbig = jnp.concatenate([wtop, wbot], axis=0).reshape(HIDDEN, 512)
    zb = jnp.zeros((4, HL), jnp.float32)
    bf = jnp.concatenate([b_f.reshape(4, HL), zb], axis=1).reshape(1, 512)
    bb = jnp.concatenate([zb, b_b.reshape(4, HL)], axis=1).reshape(1, 512)

    return pl.pallas_call(
        _lstm_body,
        out_shape=jax.ShapeDtypeStruct((T * NB, HIDDEN), jnp.float32),
        scratch_shapes=[
            pltpu.VMEM((T * NB, 512), jnp.float32),
            pltpu.VMEM((T * NB, 512), jnp.float32),
            pltpu.VMEM((T, NB, HIDDEN), jnp.float32),
        ],
    )(xt, af, ab, wbig, bf, bb)



def _fuse_body(xbm_ref, c_ref, wrel_ref, lw_ref, hb_ref, lng_ref, lnb_ref,
               cos_ref, sin_ref, p_ref, wtr_ref, wtp_ref, bt_ref,
               revf_ref, repf_ref, out_ref, rpj, ppj):
    i = pl.program_id(0)

    @pl.when(i == 0)
    def _prep():
        xrev = xbm_ref[pl.ds(0, N), :]
        xrep = xbm_ref[pl.ds(N, N), :]

        def conv(r, xsrc):
            C = c_ref[pl.ds(r * N, N), :]
            agg = jnp.dot(C, xsrc, preferred_element_type=jnp.float32)
            deg = jnp.maximum(jnp.sum(C, axis=1, keepdims=True), 1.0)
            W = wrel_ref[pl.ds(r * HIDDEN, HIDDEN), :]
            return jnp.dot(agg / deg, W, preferred_element_type=jnp.float32)

        loop = lw_ref[...]
        h_rev = (conv(0, xrev) + conv(3, xrep) + conv(5, xrev)
                 + jnp.dot(xrev, loop, preferred_element_type=jnp.float32)
                 + hb_ref[...])
        h_rep = (conv(1, xrep) + conv(2, xrev) + conv(4, xrep)
                 + jnp.dot(xrep, loop, preferred_element_type=jnp.float32)
                 + hb_ref[...])
        h_rev = jnp.maximum(h_rev, 0.0)
        h_rep = jnp.maximum(h_rep, 0.0)

        def layernorm(v):
            mu = jnp.mean(v, axis=1, keepdims=True)
            var = jnp.mean((v - mu) ** 2, axis=1, keepdims=True)
            return ((v - mu) / jnp.sqrt(var + 1e-5) * lng_ref[...]
                    + lnb_ref[...])

        revf = layernorm(xrev + h_rev)
        repf = layernorm(xrep + h_rep)
        revf_ref[...] = revf
        repf_ref[...] = repf

        p = p_ref[...]
        rot_rev = revf * cos_ref[...] + jnp.dot(
            revf, p, preferred_element_type=jnp.float32) * sin_ref[...]
        rot_rep = repf * cos_ref[...] + jnp.dot(
            repf, p, preferred_element_type=jnp.float32) * sin_ref[...]
        rpj[...] = jnp.dot(rot_rev, wtr_ref[...],
                           preferred_element_type=jnp.float32) + bt_ref[...]
        ppj[...] = jnp.dot(rot_rep, wtp_ref[...],
                           preferred_element_type=jnp.float32)

    a = rpj[pl.ds(i * T, T), :]
    bm = ppj[pl.ds(i * T, T), :]
    out_ref[...] = jnp.maximum(a[None, :, None, :] + bm[None, None, :, :],
                               0.0)


def _rotary_consts():
    inv = 10000.0 ** (-2.0 * np.arange(HL, dtype=np.float64) / HIDDEN)
    emb = np.arange(T, dtype=np.float64)[:, None] * inv[None, :]
    cos_t = np.repeat(np.cos(emb), 2, axis=1).astype(np.float32)
    sin_t = np.repeat(np.sin(emb), 2, axis=1).astype(np.float32)
    cosf = np.tile(cos_t, (4, 1))
    sinf = np.tile(sin_t, (4, 1))
    pm = np.zeros((HIDDEN, HIDDEN), np.float32)
    for kk in range(HL):
        pm[2 * kk + 1, 2 * kk] = -1.0
        pm[2 * kk, 2 * kk + 1] = 1.0
    return jnp.asarray(cosf), jnp.asarray(sinf), jnp.asarray(pm)


def _run_fuse(xbm, counts, W_rel, loop_weight, h_bias,
              W_table, b_table, ln_g, ln_b):
    cosf, sinf, pm = _rotary_consts()
    full = lambda shape: pl.BlockSpec(shape, lambda i: (0,) * len(shape))
    return pl.pallas_call(
        _fuse_body,
        grid=(4,),
        in_specs=[
            full((T * NB, HIDDEN)), full((6 * N, N)),
            full((6 * HIDDEN, HIDDEN)), full((HIDDEN, HIDDEN)),
            full((1, HIDDEN)), full((1, HIDDEN)), full((1, HIDDEN)),
            full((N, HIDDEN)), full((N, HIDDEN)), full((HIDDEN, HIDDEN)),
            full((HIDDEN, HIDDEN)), full((HIDDEN, HIDDEN)),
            full((1, HIDDEN)),
        ],
        out_specs=[
            full((N, HIDDEN)), full((N, HIDDEN)),
            pl.BlockSpec((1, T, T, HIDDEN),
                         lambda i: (i, 0, 0, 0)),
        ],
        out_shape=[
            jax.ShapeDtypeStruct((N, HIDDEN), jnp.float32),
            jax.ShapeDtypeStruct((N, HIDDEN), jnp.float32),
            jax.ShapeDtypeStruct((4, T, T, HIDDEN), jnp.float32),
        ],
        scratch_shapes=[
            pltpu.VMEM((N, HIDDEN), jnp.float32),
            pltpu.VMEM((N, HIDDEN), jnp.float32),
        ],
    )(xbm, counts, W_rel.reshape(6 * HIDDEN, HIDDEN),
      loop_weight, h_bias.reshape(1, HIDDEN),
      ln_g.reshape(1, HIDDEN), ln_b.reshape(1, HIDDEN),
      cosf, sinf, pm,
      W_table[:HIDDEN], W_table[HIDDEN:], b_table.reshape(1, HIDDEN))



def kernel(review_input, reply_input, table_input, review_seq_lens,
           reply_seq_lens, v2v_edges, b2b_edges, v2b_edges, b2v_edges,
           sl_rev_edges, sl_rep_edges, W_ih_f, W_hh_f, b_f, W_ih_b,
           W_hh_b, b_b, W_rel, loop_weight, h_bias, W_table, b_table,
           ln_g, ln_b):
    rels = [v2v_edges, b2b_edges, v2b_edges, b2v_edges,
            sl_rep_edges, sl_rev_edges]
    srcs, dsts = zip(*[_pad_rel(e, r % RPC) for r, e in enumerate(rels)])
    counts = _count_tables(jnp.concatenate(srcs), jnp.concatenate(dsts))

    xbm = _run_lstm(review_input, reply_input,
                    W_ih_f, W_hh_f, b_f, W_ih_b, W_hh_b, b_b)

    revf, repf, table_feat = _run_fuse(
        xbm, counts, W_rel, loop_weight, h_bias, W_table, b_table,
        ln_g, ln_b)
    review_feat = revf.reshape(4, T, HIDDEN)
    reply_feat = repf.reshape(4, T, HIDDEN)
    return review_feat, reply_feat, table_feat

# --- scband reference (transcript-rebuilt; emitter-appended) ---
"""Pipeline reference for scband-joint-module-51522427683107 (READ-ONLY COPY).

The authoritative reference and input builder live on the scoring server;
editing this copy changes nothing except your own understanding.
"""

import jax, jax.numpy as jnp
import numpy as np

HIDDEN = 128
INPUT_DIM = 768
H_LSTM = HIDDEN // 2
B, NREV, NREP, E = 4, 128, 128, 100000


def setup_inputs(seed: int = 0):
    key = jax.random.key(seed)
    ks = jax.random.split(key, 24)
    Nrev = B * NREV
    Nrep = B * NREP
    inp = {}
    inp['review_input'] = jax.random.normal(ks[0], (B, NREV, INPUT_DIM), dtype=jnp.float32)
    inp['reply_input'] = jax.random.normal(ks[1], (B, NREP, INPUT_DIM), dtype=jnp.float32)
    inp['table_input'] = jax.random.normal(ks[2], (B, NREV, NREP, HIDDEN * 2), dtype=jnp.float32)
    inp['review_seq_lens'] = jax.random.randint(ks[3], (B,), 1, NREV + 1, dtype=jnp.int32)
    inp['reply_seq_lens'] = jax.random.randint(ks[4], (B,), 1, NREP + 1, dtype=jnp.int32)
    inp['v2v_edges'] = jax.random.randint(ks[5], (2, E), 0, Nrev, dtype=jnp.int32)
    inp['b2b_edges'] = jax.random.randint(ks[6], (2, E), 0, Nrep, dtype=jnp.int32)
    inp['v2b_edges'] = jnp.stack([jax.random.randint(ks[7], (E,), 0, Nrev, dtype=jnp.int32), jax.random.randint(ks[8], (E,), 0, Nrep, dtype=jnp.int32)])
    inp['b2v_edges'] = jnp.stack([jax.random.randint(ks[9], (E,), 0, Nrep, dtype=jnp.int32), jax.random.randint(ks[10], (E,), 0, Nrev, dtype=jnp.int32)])
    inp['sl_rev_edges'] = jax.random.randint(ks[11], (2, E), 0, Nrev, dtype=jnp.int32)
    inp['sl_rep_edges'] = jax.random.randint(ks[12], (2, E), 0, Nrep, dtype=jnp.int32)
    inp['W_ih_f'] = jax.random.normal(ks[13], (4 * H_LSTM, INPUT_DIM), dtype=jnp.float32) / np.sqrt(INPUT_DIM)
    inp['W_hh_f'] = jax.random.normal(ks[14], (4 * H_LSTM, H_LSTM), dtype=jnp.float32) / np.sqrt(H_LSTM)
    inp['b_f'] = jnp.zeros((4 * H_LSTM,), dtype=jnp.float32)
    inp['W_ih_b'] = jax.random.normal(ks[15], (4 * H_LSTM, INPUT_DIM), dtype=jnp.float32) / np.sqrt(INPUT_DIM)
    inp['W_hh_b'] = jax.random.normal(ks[16], (4 * H_LSTM, H_LSTM), dtype=jnp.float32) / np.sqrt(H_LSTM)
    inp['b_b'] = jnp.zeros((4 * H_LSTM,), dtype=jnp.float32)
    inp['W_rel'] = jax.random.normal(ks[17], (6, HIDDEN, HIDDEN), dtype=jnp.float32) / np.sqrt(HIDDEN)
    inp['loop_weight'] = jax.random.normal(ks[18], (HIDDEN, HIDDEN), dtype=jnp.float32) / np.sqrt(HIDDEN)
    inp['h_bias'] = jnp.zeros((HIDDEN,), dtype=jnp.float32)
    inp['W_table'] = jax.random.normal(ks[19], (2 * HIDDEN, HIDDEN), dtype=jnp.float32) / np.sqrt(2 * HIDDEN)
    inp['b_table'] = jnp.zeros((HIDDEN,), dtype=jnp.float32)
    inp['ln_g'] = jnp.ones((HIDDEN,), dtype=jnp.float32)
    inp['ln_b'] = jnp.zeros((HIDDEN,), dtype=jnp.float32)
    return inp


def _lstm_dir(x, W_ih, W_hh, b, reverse):
    Bb, T, D = x.shape
    H = W_hh.shape[1]
    xs = jnp.swapaxes(x, 0, 1)
    if reverse:
        xs = xs[::-1]

    def step(carry, xt):
        h, c = carry
        gates = xt @ W_ih.T + h @ W_hh.T + b
        i, f, g, o = jnp.split(gates, 4, axis=-1)
        c2 = jax.nn.sigmoid(f) * c + jax.nn.sigmoid(i) * jnp.tanh(g)
        h2 = jax.nn.sigmoid(o) * jnp.tanh(c2)
        return (h2, c2), h2

    init = (jnp.zeros((Bb, H), x.dtype), jnp.zeros((Bb, H), x.dtype))
    _, hs = jax.lax.scan(step, init, xs)
    if reverse:
        hs = hs[::-1]
    return jnp.swapaxes(hs, 0, 1)


def _bilstm(x, W_ih_f, W_hh_f, b_f, W_ih_b, W_hh_b, b_b):
    return jnp.concatenate([_lstm_dir(x, W_ih_f, W_hh_f, b_f, False), _lstm_dir(x, W_ih_b, W_hh_b, b_b, True)], axis=-1)


def _rel_conv(x_src, edges, W, n_dst):
    # dgl GraphConv(norm='right', weight=False) with external weight:
    # aggregate src features over edges, divide by dst in-degree, then matmul.
    src = edges[0]
    dst = edges[1]
    agg = jax.ops.segment_sum(x_src[src], dst, num_segments=n_dst)
    deg = jax.ops.segment_sum(jnp.ones((edges.shape[1],), x_src.dtype), dst, num_segments=n_dst)
    deg = jnp.clip(deg, 1.0, None)
    return (agg / deg[:, None]) @ W


def _rotary(x):
    Bb, T, D = x.shape
    pos = jnp.arange(T, dtype=jnp.float32)[:, None]
    idx = jnp.arange(D // 2, dtype=jnp.float32)
    inv = jnp.power(10000.0, -2.0 * idx / D)
    emb = pos * inv
    pe = jnp.stack([jnp.sin(emb), jnp.cos(emb)], axis=-1).reshape(T, D)
    pe = jnp.broadcast_to(pe[None], (Bb, T, D))
    cos_pos = jnp.repeat(pe[..., 1::2], 2, axis=-1)
    sin_pos = jnp.repeat(pe[..., ::2], 2, axis=-1)
    x1 = jnp.stack([-x[..., 1::2], x[..., ::2]], axis=-1).reshape(x.shape)
    return x * cos_pos + x1 * sin_pos


def _layer_norm(x, g, b, eps=1e-5):
    mu = jnp.mean(x, axis=-1, keepdims=True)
    var = jnp.mean((x - mu) ** 2, axis=-1, keepdims=True)
    return (x - mu) / jnp.sqrt(var + eps) * g + b


def _forward(review_input, reply_input, table_input, review_seq_lens, reply_seq_lens, v2v_edges, b2b_edges, v2b_edges, b2v_edges, sl_rev_edges, sl_rep_edges, W_ih_f, W_hh_f, b_f, W_ih_b, W_hh_b, b_b, W_rel, loop_weight, h_bias, W_table, b_table, ln_g, ln_b):
    # shared BiLSTM encoder (lstm_share_param=True); packing by seq_lens omitted (eval, full-length)
    review_lstm = _bilstm(review_input, W_ih_f, W_hh_f, b_f, W_ih_b, W_hh_b, b_b)
    reply_lstm = _bilstm(reply_input, W_ih_f, W_hh_f, b_f, W_ih_b, W_hh_b, b_b)
    Bb, nrev, h = review_lstm.shape
    nrep = reply_lstm.shape[1]
    x_rev = review_lstm.reshape(-1, h)
    x_rep = reply_lstm.reshape(-1, h)
    Nrev = x_rev.shape[0]
    Nrep = x_rep.shape[0]
    # RelGraphConvLayer: rel order ['v2v','b2b','v2b','b2v','sl-rep','sl-rev']
    h_rev = _rel_conv(x_rev, v2v_edges, W_rel[0], Nrev) + _rel_conv(x_rep, b2v_edges, W_rel[3], Nrev) + _rel_conv(x_rev, sl_rev_edges, W_rel[5], Nrev)
    h_rep = _rel_conv(x_rep, b2b_edges, W_rel[1], Nrep) + _rel_conv(x_rev, v2b_edges, W_rel[2], Nrep) + _rel_conv(x_rep, sl_rep_edges, W_rel[4], Nrep)
    h_rev = jax.nn.relu(h_rev + x_rev @ loop_weight + h_bias)
    h_rep = jax.nn.relu(h_rep + x_rep @ loop_weight + h_bias)
    # residual + LayerNorm (reconstructed tail of the truncated forward)
    review_feat = _layer_norm(review_lstm + h_rev.reshape(Bb, nrev, h), ln_g, ln_b)
    reply_feat = _layer_norm(reply_lstm + h_rep.reshape(Bb, nrep, h), ln_g, ln_b)
    # PositionWisedTableEncoder
    rev_r = _rotary(review_feat)
    rep_r = _rotary(reply_feat)
    er = jnp.broadcast_to(rev_r[:, :, None, :], (Bb, nrev, nrep, h))
    ep = jnp.broadcast_to(rep_r[:, None, :, :], (Bb, nrev, nrep, h))
    cross = jnp.concatenate([er, ep], axis=-1)
    table_feat = jax.nn.relu(cross @ W_table + b_table)
    return review_feat, reply_feat, table_feat


def reference(review_input, reply_input, table_input, review_seq_lens, reply_seq_lens, v2v_edges, b2b_edges, v2b_edges, b2v_edges, sl_rev_edges, sl_rep_edges, W_ih_f, W_hh_f, b_f, W_ih_b, W_hh_b, b_b, W_rel, loop_weight, h_bias, W_table, b_table, ln_g, ln_b):
    return _forward(review_input=review_input, reply_input=reply_input, table_input=table_input, review_seq_lens=review_seq_lens, reply_seq_lens=reply_seq_lens, v2v_edges=v2v_edges, b2b_edges=b2b_edges, v2b_edges=v2b_edges, b2v_edges=b2v_edges, sl_rev_edges=sl_rev_edges, sl_rep_edges=sl_rep_edges, W_ih_f=W_ih_f, W_hh_f=W_hh_f, b_f=b_f, W_ih_b=W_ih_b, W_hh_b=W_hh_b, b_b=b_b, W_rel=W_rel, loop_weight=loop_weight, h_bias=h_bias, W_table=W_table, b_table=b_table, ln_g=ln_g, ln_b=ln_b)

if __name__ == "__main__":
    import jax
    _d = setup_inputs()
    print(jax.jit(kernel)(*tuple(_d.values())))

</pallas_src>

<mosaic_0001>
#map = affine_map<(d0, d1) -> (0)>
module attributes {stable_mosaic.version = 14 : i64} {
  func.func @_count_body(%arg0: i32, %arg1: i32, %arg2: memref<602112xi32, #tpu.memory_space<hbm>>, %arg3: memref<602112xi32, #tpu.memory_space<hbm>>, %arg4: memref<49152xf32, #tpu.memory_space<hbm>>, %arg5: memref<6272xf32, #tpu.memory_space<hbm>>, %arg6: memref<1572864xf32, #tpu.memory_space<hbm>>, %arg7: memref<6272xi32, #tpu.memory_space<vmem>>, %arg8: memref<6272xi32, #tpu.memory_space<vmem>>, %arg9: memref<6272xi32, #tpu.memory_space<vmem>>, %arg10: memref<6272xf32, #tpu.memory_space<vmem>>, %arg11: memref<49152xf32, #tpu.memory_space<vmem>>, %arg12: memref<786560xf32, #tpu.memory_space<vmem_shared>>, %arg13: memref<!tpu.dma_semaphore, #tpu.memory_space<semaphore_mem>>) attributes {dimension_semantics = [#tpu.dimension_semantics<core_parallel>, #tpu.dimension_semantics<subcore_parallel>], iteration_bounds = array<i64: 2, 16>, scalar_prefetch = 0 : i64, scratch_operands = 7 : i64, tpu.core_type = #tpu.core_type<sc_vector_subcore>, window_params = [{transform_indices = #map}, {transform_indices = #map}, {transform_indices = #map}, {transform_indices = #map}, {transform_indices = #map}]} {
    "tpu.region"() ({
      %run_scoped3A = tpu.sem_alloc : memref<!tpu.dma_semaphore, #tpu.memory_space<semaphore_mem>>
      tpu.enqueue_dma source(%arg4 : memref<49152xf32, #tpu.memory_space<hbm>>) target(%arg11 : memref<49152xf32, #tpu.memory_space<vmem>>) target_semaphore(%run_scoped3A : memref<!tpu.dma_semaphore, #tpu.memory_space<semaphore_mem>>)
      tpu.wait_dma2 semaphore(%run_scoped3A : memref<!tpu.dma_semaphore, #tpu.memory_space<semaphore_mem>>) src(%arg4 : memref<49152xf32, #tpu.memory_space<hbm>>) dst(%arg11 : memref<49152xf32, #tpu.memory_space<vmem>>)
      tpu.yield
    }) : () -> ()
    "tpu.region"() ({
      %run_scoped3A = tpu.sem_alloc : memref<!tpu.dma_semaphore, #tpu.memory_space<semaphore_mem>>
      tpu.enqueue_dma source(%arg5 : memref<6272xf32, #tpu.memory_space<hbm>>) target(%arg10 : memref<6272xf32, #tpu.memory_space<vmem>>) target_semaphore(%run_scoped3A : memref<!tpu.dma_semaphore, #tpu.memory_space<semaphore_mem>>)
      tpu.wait_dma2 semaphore(%run_scoped3A : memref<!tpu.dma_semaphore, #tpu.memory_space<semaphore_mem>>) src(%arg5 : memref<6272xf32, #tpu.memory_space<hbm>>) dst(%arg10 : memref<6272xf32, #tpu.memory_space<vmem>>)
      tpu.yield
    }) : () -> ()
    %mul3A = arith.constant 49152 : i32
    %mul3A_0 = arith.muli %arg1, %mul3A : i32
    "tpu.region"() ({
      %run_scoped3A = tpu.sem_alloc : memref<!tpu.dma_semaphore, #tpu.memory_space<semaphore_mem>>
      %dma_start3A = tpu.memref_slice %arg12[%mul3A_0] : memref<786560xf32, #tpu.memory_space<vmem_shared>> -> memref<49152xf32, #tpu.memory_space<vmem_shared>>
      %dma_start3A_58 = tpu.memref_slice %arg12[%mul3A_0] : memref<786560xf32, #tpu.memory_space<vmem_shared>> -> memref<49152xf32, #tpu.memory_space<vmem_shared>>
      tpu.enqueue_dma source(%arg11 : memref<49152xf32, #tpu.memory_space<vmem>>) target(%dma_start3A_58 : memref<49152xf32, #tpu.memory_space<vmem_shared>>) target_semaphore(%run_scoped3A : memref<!tpu.dma_semaphore, #tpu.memory_space<semaphore_mem>>)
      %dma_wait3A = tpu.memref_slice %arg12[%mul3A_0] : memref<786560xf32, #tpu.memory_space<vmem_shared>> -> memref<49152xf32, #tpu.memory_space<vmem_shared>>
      %dma_wait3A_59 = tpu.memref_slice %arg12[%mul3A_0] : memref<786560xf32, #tpu.memory_space<vmem_shared>> -> memref<49152xf32, #tpu.memory_space<vmem_shared>>
      tpu.wait_dma2 semaphore(%run_scoped3A : memref<!tpu.dma_semaphore, #tpu.memory_space<semaphore_mem>>) src(%arg11 : memref<49152xf32, #tpu.memory_space<vmem>>) dst(%dma_wait3A_59 : memref<49152xf32, #tpu.memory_space<vmem_shared>>)
      tpu.yield
    }) : () -> ()
    %barrier3A = arith.constant 0 : index
    tpu.barrier barrier_id(%barrier3A)
    %mul3A_1 = arith.constant 3 : i32
    %mul3A_2 = arith.muli %arg0, %mul3A_1 : i32
    %add3A = arith.constant 0 : i32
    %add3A_3 = arith.addi %mul3A_2, %add3A : i32
    %mul3A_4 = arith.constant 100352 : i32
    %mul3A_5 = arith.muli %add3A_3, %mul3A_4 : i32
    %mul3A_6 = arith.constant 6272 : i32
    %mul3A_7 = arith.muli %arg1, %mul3A_6 : i32
    %add3A_8 = arith.addi %mul3A_5, %mul3A_7 : i32
    %multiple_of3A = tpu.assume_multiple %add3A_8, 128 : i32
    "tpu.region"() ({
      %run_scoped3A = tpu.sem_alloc : memref<!tpu.dma_semaphore, #tpu.memory_space<semaphore_mem>>
      %dma_start3A = tpu.memref_slice %arg2[%multiple_of3A] : memref<602112xi32, #tpu.memory_space<hbm>> -> memref<6272xi32, #tpu.memory_space<hbm>>
      %dma_start3A_58 = tpu.memref_slice %arg2[%multiple_of3A] : memref<602112xi32, #tpu.memory_space<hbm>> -> memref<6272xi32, #tpu.memory_space<hbm>>
      tpu.enqueue_dma source(%dma_start3A_58 : memref<6272xi32, #tpu.memory_space<hbm>>) target(%arg7 : memref<6272xi32, #tpu.memory_space<vmem>>) target_semaphore(%run_scoped3A : memref<!tpu.dma_semaphore, #tpu.memory_space<semaphore_mem>>)
      %dma_wait3A = tpu.memref_slice %arg2[%multiple_of3A] : memref<602112xi32, #tpu.memory_space<hbm>> -> memref<6272xi32, #tpu.memory_space<hbm>>
      %dma_wait3A_59 = tpu.memref_slice %arg2[%multiple_of3A] : memref<602112xi32, #tpu.memory_space<hbm>> -> memref<6272xi32, #tpu.memory_space<hbm>>
      tpu.wait_dma2 semaphore(%run_scoped3A : memref<!tpu.dma_semaphore, #tpu.memory_space<semaphore_mem>>) src(%dma_wait3A_59 : memref<6272xi32, #tpu.memory_space<hbm>>) dst(%arg7 : memref<6272xi32, #tpu.memory_space<vmem>>)
      tpu.yield
    }) : () -> ()
    "tpu.region"() ({
      %run_scoped3A = tpu.sem_alloc : memref<!tpu.dma_semaphore, #tpu.memory_space<semaphore_mem>>
      %dma_start3A = tpu.memref_slice %arg3[%multiple_of3A] : memref<602112xi32, #tpu.memory_space<hbm>> -> memref<6272xi32, #tpu.memory_space<hbm>>
      %dma_start3A_58 = tpu.memref_slice %arg3[%multiple_of3A] : memref<602112xi32, #tpu.memory_space<hbm>> -> memref<6272xi32, #tpu.memory_space<hbm>>
      tpu.enqueue_dma source(%dma_start3A_58 : memref<6272xi32, #tpu.memory_space<hbm>>) target(%arg8 : memref<6272xi32, #tpu.memory_space<vmem>>) target_semaphore(%run_scoped3A : memref<!tpu.dma_semaphore, #tpu.memory_space<semaphore_mem>>)
      %dma_wait3A = tpu.memref_slice %arg3[%multiple_of3A] : memref<602112xi32, #tpu.memory_space<hbm>> -> memref<6272xi32, #tpu.memory_space<hbm>>
      %dma_wait3A_59 = tpu.memref_slice %arg3[%multiple_of3A] : memref<602112xi32, #tpu.memory_space<hbm>> -> memref<6272xi32, #tpu.memory_space<hbm>>
      tpu.wait_dma2 semaphore(%run_scoped3A : memref<!tpu.dma_semaphore, #tpu.memory_space<semaphore_mem>>) src(%dma_wait3A_59 : memref<6272xi32, #tpu.memory_space<hbm>>) dst(%arg8 : memref<6272xi32, #tpu.memory_space<vmem>>)
      tpu.yield
    }) : () -> ()
    %scan3A = arith.constant 0 : i32
    %scan3A_9 = arith.constant 0 : i32
    %scan3A_10 = arith.constant 49 : i32
    %scan3A_11 = arith.addi %scan3A_9, %scan3A_10 : i32
    %scan3A_12 = arith.constant 1 : i32
    %scan3A_13 = scf.for %scan3A_58 = %scan3A_9 to %scan3A_11 step %scan3A_12 iter_args(%scan3A_59 = %scan3A) -> (i32)  : i32 {
      %mul3A_60 = arith.constant 128 : i32
      %mul3A_61 = arith.muli %scan3A_58, %mul3A_60 : i32
      %add3A_62 = arith.constant 0 : i32
      %add3A_63 = arith.addi %mul3A_61, %add3A_62 : i32
      %get3A = arith.index_cast %add3A_63 : i32 to index
      %get3A_64 = tpu.vector_load %arg7[%get3A] {strides = array<i32>} : memref<6272xi32, #tpu.memory_space<vmem>>, vector<16xi32>,
      %get3A_65 = vector.shape_cast %get3A_64 : vector<16xi32> to vector<16xi32>
      %mul3A_66 = arith.constant 128 : i32
      %mul3A_67 = arith.muli %scan3A_58, %mul3A_66 : i32
      %add3A_68 = arith.constant 0 : i32
      %add3A_69 = arith.addi %mul3A_67, %add3A_68 : i32
      %get3A_70 = arith.index_cast %add3A_69 : i32 to index
      %get3A_71 = tpu.vector_load %arg8[%get3A_70] {strides = array<i32>} : memref<6272xi32, #tpu.memory_space<vmem>>, vector<16xi32>,
      %get3A_72 = vector.shape_cast %get3A_71 : vector<16xi32> to vector<16xi32>
      %mul3A_73 = arith.constant 512 : i32
      %mul3A_74 = vector.broadcast %mul3A_73 : i32 to vector<16xi32>
      %mul3A_75 = arith.muli %get3A_72, %mul3A_74 : vector<16xi32>
      %add3A_76 = arith.addi %mul3A_75, %get3A_65 : vector<16xi32>
      %add3A_77 = arith.constant 0 : i32
      %add3A_78 = vector.broadcast %add3A_77 : i32 to vector<16xi32>
      %add3A_79 = arith.addi %add3A_76, %add3A_78 : vector<16xi32>
      %mul3A_80 = arith.constant 128 : i32
      %mul3A_81 = arith.muli %scan3A_58, %mul3A_80 : i32
      %add3A_82 = arith.constant 0 : i32
      %add3A_83 = arith.addi %mul3A_81, %add3A_82 : i32
      %swap3A = arith.index_cast %add3A_83 : i32 to index
      %swap3A_84 = tpu.vector_load %arg9[%swap3A] {strides = array<i32>} : memref<6272xi32, #tpu.memory_space<vmem>>, vector<16xi32>,
      %swap3A_85 = vector.shape_cast %swap3A_84 : vector<16xi32> to vector<16xi32>
      %swap3A_86 = vector.shape_cast %add3A_79 : vector<16xi32> to vector<16xi32>
      tpu.vector_store %arg9[%swap3A], %swap3A_86 {strides = array<i32>} : memref<6272xi32, #tpu.memory_space<vmem>>, vector<16xi32>,
      %mul3A_87 = arith.constant 128 : i32
      %mul3A_88 = arith.muli %scan3A_58, %mul3A_87 : i32
      %add3A_89 = arith.constant 16 : i32
      %add3A_90 = arith.addi %mul3A_88, %add3A_89 : i32
      %get3A_91 = arith.index_cast %add3A_90 : i32 to index
      %get3A_92 = tpu.vector_load %arg7[%get3A_91] {strides = array<i32>} : memref<6272xi32, #tpu.memory_space<vmem>>, vector<16xi32>,
      %get3A_93 = vector.shape_cast %get3A_92 : vector<16xi32> to vector<16xi32>
      %mul3A_94 = arith.constant 128 : i32
      %mul3A_95 = arith.muli %scan3A_58, %mul3A_94 : i32
      %add3A_96 = arith.constant 16 : i32
      %add3A_97 = arith.addi %mul3A_95, %add3A_96 : i32
      %get3A_98 = arith.index_cast %add3A_97 : i32 to index
      %get3A_99 = tpu.vector_load %arg8[%get3A_98] {strides = array<i32>} : memref<6272xi32, #tpu.memory_space<vmem>>, vector<16xi32>,
      %get3A_100 = vector.shape_cast %get3A_99 : vector<16xi32> to vector<16xi32>
      %mul3A_101 = arith.constant 512 : i32
      %mul3A_102 = vector.broadcast %mul3A_101 : i32 to vector<16xi32>
      %mul3A_103 = arith.muli %get3A_100, %mul3A_102 : vector<16xi32>
      %add3A_104 = arith.addi %mul3A_103, %get3A_93 : vector<16xi32>
      %add3A_105 = arith.constant 0 : i32
      %add3A_106 = vector.broadcast %add3A_105 : i32 to vector<16xi32>
      %add3A_107 = arith.addi %add3A_104, %add3A_106 : vector<16xi32>
      %mul3A_108 = arith.constant 128 : i32
      %mul3A_109 = arith.muli %scan3A_58, %mul3A_108 : i32
      %add3A_110 = arith.constant 16 : i32
      %add3A_111 = arith.addi %mul3A_109, %add3A_110 : i32
      %swap3A_112 = arith.index_cast %add3A_111 : i32 to index
      %swap3A_113 = tpu.vector_load %arg9[%swap3A_112] {strides = array<i32>} : memref<6272xi32, #tpu.memory_space<vmem>>, vector<16xi32>,
      %swap3A_114 = vector.shape_cast %swap3A_113 : vector<16xi32> to vector<16xi32>
      %swap3A_115 = vector.shape_cast %add3A_107 : vector<16xi32> to vector<16xi32>
      tpu.vector_store %arg9[%swap3A_112], %swap3A_115 {strides = array<i32>} : memref<6272xi32, #tpu.memory_space<vmem>>, vector<16xi32>,
      %mul3A_116 = arith.constant 128 : i32
      %mul3A_117 = arith.muli %scan3A_58, %mul3A_116 : i32
      %add3A_118 = arith.constant 32 : i32
      %add3A_119 = arith.addi %mul3A_117, %add3A_118 : i32
      %get3A_120 = arith.index_cast %add3A_119 : i32 to index
      %get3A_121 = tpu.vector_load %arg7[%get3A_120] {strides = array<i32>} : memref<6272xi32, #tpu.memory_space<vmem>>, vector<16xi32>,
      %get3A_122 = vector.shape_cast %get3A_121 : vector<16xi32> to vector<16xi32>
      %mul3A_123 = arith.constant 128 : i32
      %mul3A_124 = arith.muli %scan3A_58, %mul3A_123 : i32
      %add3A_125 = arith.constant 32 : i32
      %add3A_126 = arith.addi %mul3A_124, %add3A_125 : i32
      %get3A_127 = arith.index_cast %add3A_126 : i32 to index
      %get3A_128 = tpu.vector_load %arg8[%get3A_127] {strides = array<i32>} : memref<6272xi32, #tpu.memory_space<vmem>>, vector<16xi32>,
      %get3A_129 = vector.shape_cast %get3A_128 : vector<16xi32> to vector<16xi32>
      %mul3A_130 = arith.constant 512 : i32
      %mul3A_131 = vector.broadcast %mul3A_130 : i32 to vector<16xi32>
      %mul3A_132 = arith.muli %get3A_129, %mul3A_131 : vector<16xi32>
      %add3A_133 = arith.addi %mul3A_132, %get3A_122 : vector<16xi32>
      %add3A_134 = arith.constant 0 : i32
      %add3A_135 = vector.broadcast %add3A_134 : i32 to vector<16xi32>
      %add3A_136 = arith.addi %add3A_133, %add3A_135 : vector<16xi32>
      %mul3A_137 = arith.constant 128 : i32
      %mul3A_138 = arith.muli %scan3A_58, %mul3A_137 : i32
      %add3A_139 = arith.constant 32 : i32
      %add3A_140 = arith.addi %mul3A_138, %add3A_139 : i32
      %swap3A_141 = arith.index_cast %add3A_140 : i32 to index
      %swap3A_142 = tpu.vector_load %arg9[%swap3A_141] {strides = array<i32>} : memref<6272xi32, #tpu.memory_space<vmem>>, vector<16xi32>,
      %swap3A_143 = vector.shape_cast %swap3A_142 : vector<16xi32> to vector<16xi32>
      %swap3A_144 = vector.shape_cast %add3A_136 : vector<16xi32> to vector<16xi32>
      tpu.vector_store %arg9[%swap3A_141], %swap3A_144 {strides = array<i32>} : memref<6272xi32, #tpu.memory_space<vmem>>, vector<16xi32>,
      %mul3A_145 = arith.constant 128 : i32
      %mul3A_146 = arith.muli %scan3A_58, %mul3A_145 : i32
      %add3A_147 = arith.constant 48 : i32
      %add3A_148 = arith.addi %mul3A_146, %add3A_147 : i32
      %get3A_149 = arith.index_cast %add3A_148 : i32 to index
      %get3A_150 = tpu.vector_load %arg7[%get3A_149] {strides = array<i32>} : memref<6272xi32, #tpu.memory_space<vmem>>, vector<16xi32>,
      %get3A_151 = vector.shape_cast %get3A_150 : vector<16xi32> to vector<16xi32>
      %mul3A_152 = arith.constant 128 : i32
      %mul3A_153 = arith.muli %scan3A_58, %mul3A_152 : i32
      %add3A_154 = arith.constant 48 : i32
      %add3A_155 = arith.addi %mul3A_153, %add3A_154 : i32
      %get3A_156 = arith.index_cast %add3A_155 : i32 to index
      %get3A_157 = tpu.vector_load %arg8[%get3A_156] {strides = array<i32>} : memref<6272xi32, #tpu.memory_space<vmem>>, vector<16xi32>,
      %get3A_158 = vector.shape_cast %get3A_157 : vector<16xi32> to vector<16xi32>
      %mul3A_159 = arith.constant 512 : i32
      %mul3A_160 = vector.broadcast %mul3A_159 : i32 to vector<16xi32>
      %mul3A_161 = arith.muli %get3A_158, %mul3A_160 : vector<16xi32>
      %add3A_162 = arith.addi %mul3A_161, %get3A_151 : vector<16xi32>
      %add3A_163 = arith.constant 0 : i32
      %add3A_164 = vector.broadcast %add3A_163 : i32 to vector<16xi32>
      %add3A_165 = arith.addi %add3A_162, %add3A_164 : vector<16xi32>
      %mul3A_166 = arith.constant 128 : i32
      %mul3A_167 = arith.muli %scan3A_58, %mul3A_166 : i32
      %add3A_168 = arith.constant 48 : i32
      %add3A_169 = arith.addi %mul3A_167, %add3A_168 : i32
      %swap3A_170 = arith.index_cast %add3A_169 : i32 to index
      %swap3A_171 = tpu.vector_load %arg9[%swap3A_170] {strides = array<i32>} : memref<6272xi32, #tpu.memory_space<vmem>>, vector<16xi32>,
      %swap3A_172 = vector.shape_cast %swap3A_171 : vector<16xi32> to vector<16xi32>
      %swap3A_173 = vector.shape_cast %add3A_165 : vector<16xi32> to vector<16xi32>
      tpu.vector_store %arg9[%swap3A_170], %swap3A_173 {strides = array<i32>} : memref<6272xi32, #tpu.memory_space<vmem>>, vector<16xi32>,
      %mul3A_174 = arith.constant 128 : i32
      %mul3A_175 = arith.muli %scan3A_58, %mul3A_174 : i32
      %add3A_176 = arith.constant 64 : i32
      %add3A_177 = arith.addi %mul3A_175, %add3A_176 : i32
      %get3A_178 = arith.index_cast %add3A_177 : i32 to index
      %get3A_179 = tpu.vector_load %arg7[%get3A_178] {strides = array<i32>} : memref<6272xi32, #tpu.memory_space<vmem>>, vector<16xi32>,
      %get3A_180 = vector.shape_cast %get3A_179 : vector<16xi32> to vector<16xi32>
      %mul3A_181 = arith.constant 128 : i32
      %mul3A_182 = arith.muli %scan3A_58, %mul3A_181 : i32
      %add3A_183 = arith.constant 64 : i32
      %add3A_184 = arith.addi %mul3A_182, %add3A_183 : i32
      %get3A_185 = arith.index_cast %add3A_184 : i32 to index
      %get3A_186 = tpu.vector_load %arg8[%get3A_185] {strides = array<i32>} : memref<6272xi32, #tpu.memory_space<vmem>>, vector<16xi32>,
      %get3A_187 = vector.shape_cast %get3A_186 : vector<16xi32> to vector<16xi32>
      %mul3A_188 = arith.constant 512 : i32
      %mul3A_189 = vector.broadcast %mul3A_188 : i32 to vector<16xi32>
      %mul3A_190 = arith.muli %get3A_187, %mul3A_189 : vector<16xi32>
      %add3A_191 = arith.addi %mul3A_190, %get3A_180 : vector<16xi32>
      %add3A_192 = arith.constant 0 : i32
      %add3A_193 = vector.broadcast %add3A_192 : i32 to vector<16xi32>
      %add3A_194 = arith.addi %add3A_191, %add3A_193 : vector<16xi32>
      %mul3A_195 = arith.constant 128 : i32
      %mul3A_196 = arith.muli %scan3A_58, %mul3A_195 : i32
      %add3A_197 = arith.constant 64 : i32
      %add3A_198 = arith.addi %mul3A_196, %add3A_197 : i32
      %swap3A_199 = arith.index_cast %add3A_198 : i32 to index
      %swap3A_200 = tpu.vector_load %arg9[%swap3A_199] {strides = array<i32>} : memref<6272xi32, #tpu.memory_space<vmem>>, vector<16xi32>,
      %swap3A_201 = vector.shape_cast %swap3A_200 : vector<16xi32> to vector<16xi32>
      %swap3A_202 = vector.shape_cast %add3A_194 : vector<16xi32> to vector<16xi32>
      tpu.vector_store %arg9[%swap3A_199], %swap3A_202 {strides = array<i32>} : memref<6272xi32, #tpu.memory_space<vmem>>, vector<16xi32>,
      %mul3A_203 = arith.constant 128 : i32
      %mul3A_204 = arith.muli %scan3A_58, %mul3A_203 : i32
      %add3A_205 = arith.constant 80 : i32
      %add3A_206 = arith.addi %mul3A_204, %add3A_205 : i32
      %get3A_207 = arith.index_cast %add3A_206 : i32 to index
      %get3A_208 = tpu.vector_load %arg7[%get3A_207] {strides = array<i32>} : memref<6272xi32, #tpu.memory_space<vmem>>, vector<16xi32>,
      %get3A_209 = vector.shape_cast %get3A_208 : vector<16xi32> to vector<16xi32>
      %mul3A_210 = arith.constant 128 : i32
      %mul3A_211 = arith.muli %scan3A_58, %mul3A_210 : i32
      %add3A_212 = arith.constant 80 : i32
      %add3A_213 = arith.addi %mul3A_211, %add3A_212 : i32
      %get3A_214 = arith.index_cast %add3A_213 : i32 to index
      %get3A_215 = tpu.vector_load %arg8[%get3A_214] {strides = array<i32>} : memref<6272xi32, #tpu.memory_space<vmem>>, vector<16xi32>,
      %get3A_216 = vector.shape_cast %get3A_215 : vector<16xi32> to vector<16xi32>
      %mul3A_217 = arith.constant 512 : i32
      %mul3A_218 = vector.broadcast %mul3A_217 : i32 to vector<16xi32>
      %mul3A_219 = arith.muli %get3A_216, %mul3A_218 : vector<16xi32>
      %add3A_220 = arith.addi %mul3A_219, %get3A_209 : vector<16xi32>
      %add3A_221 = arith.constant 0 : i32
      %add3A_222 = vector.broadcast %add3A_221 : i32 to vector<16xi32>
      %add3A_223 = arith.addi %add3A_220, %add3A_222 : vector<16xi32>
      %mul3A_224 = arith.constant 128 : i32
      %mul3A_225 = arith.muli %scan3A_58, %mul3A_224 : i32
      %add3A_226 = arith.constant 80 : i32
      %add3A_227 = arith.addi %mul3A_225, %add3A_226 : i32
      %swap3A_228 = arith.index_cast %add3A_227 : i32 to index
      %swap3A_229 = tpu.vector_load %arg9[%swap3A_228] {strides = array<i32>} : memref<6272xi32, #tpu.memory_space<vmem>>, vector<16xi32>,
      %swap3A_230 = vector.shape_cast %swap3A_229 : vector<16xi32> to vector<16xi32>
      %swap3A_231 = vector.shape_cast %add3A_223 : vector<16xi32> to vector<16xi32>
      tpu.vector_store %arg9[%swap3A_228], %swap3A_231 {strides = array<i32>} : memref<6272xi32, #tpu.memory_space<vmem>>, vector<16xi32>,
      %mul3A_232 = arith.constant 128 : i32
      %mul3A_233 = arith.muli %scan3A_58, %mul3A_232 : i32
      %add3A_234 = arith.constant 96 : i32
      %add3A_235 = arith.addi %mul3A_233, %add3A_234 : i32
      %get3A_236 = arith.index_cast %add3A_235 : i32 to index
      %get3A_237 = tpu.vector_load %arg7[%get3A_236] {strides = array<i32>} : memref<6272xi32, #tpu.memory_space<vmem>>, vector<16xi32>,
      %get3A_238 = vector.shape_cast %get3A_237 : vector<16xi32> to vector<16xi32>
      %mul3A_239 = arith.constant 128 : i32
      %mul3A_240 = arith.muli %scan3A_58, %mul3A_239 : i32
      %add3A_241 = arith.constant 96 : i32
      %add3A_242 = arith.addi %mul3A_240, %add3A_241 : i32
      %get3A_243 = arith.index_cast %add3A_242 : i32 to index
      %get3A_244 = tpu.vector_load %arg8[%get3A_243] {strides = array<i32>} : memref<6272xi32, #tpu.memory_space<vmem>>, vector<16xi32>,
      %get3A_245 = vector.shape_cast %get3A_244 : vector<16xi32> to vector<16xi32>
      %mul3A_246 = arith.constant 512 : i32
      %mul3A_247 = vector.broadcast %mul3A_246 : i32 to vector<16xi32>
      %mul3A_248 = arith.muli %get3A_245, %mul3A_247 : vector<16xi32>
      %add3A_249 = arith.addi %mul3A_248, %get3A_238 : vector<16xi32>
      %add3A_250 = arith.constant 0 : i32
      %add3A_251 = vector.broadcast %add3A_250 : i32 to vector<16xi32>
      %add3A_252 = arith.addi %add3A_249, %add3A_251 : vector<16xi32>
      %mul3A_253 = arith.constant 128 : i32
      %mul3A_254 = arith.muli %scan3A_58, %mul3A_253 : i32
      %add3A_255 = arith.constant 96 : i32
      %add3A_256 = arith.addi %mul3A_254, %add3A_255 : i32
      %swap3A_257 = arith.index_cast %add3A_256 : i32 to index
      %swap3A_258 = tpu.vector_load %arg9[%swap3A_257] {strides = array<i32>} : memref<6272xi32, #tpu.memory_space<vmem>>, vector<16xi32>,
      %swap3A_259 = vector.shape_cast %swap3A_258 : vector<16xi32> to vector<16xi32>
      %swap3A_260 = vector.shape_cast %add3A_252 : vector<16xi32> to vector<16xi32>
      tpu.vector_store %arg9[%swap3A_257], %swap3A_260 {strides = array<i32>} : memref<6272xi32, #tpu.memory_space<vmem>>, vector<16xi32>,
      %mul3A_261 = arith.constant 128 : i32
      %mul3A_262 = arith.muli %scan3A_58, %mul3A_261 : i32
      %add3A_263 = arith.constant 112 : i32
      %add3A_264 = arith.addi %mul3A_262, %add3A_263 : i32
      %get3A_265 = arith.index_cast %add3A_264 : i32 to index
      %get3A_266 = tpu.vector_load %arg7[%get3A_265] {strides = array<i32>} : memref<6272xi32, #tpu.memory_space<vmem>>, vector<16xi32>,
      %get3A_267 = vector.shape_cast %get3A_266 : vector<16xi32> to vector<16xi32>
      %mul3A_268 = arith.constant 128 : i32
      %mul3A_269 = arith.muli %scan3A_58, %mul3A_268 : i32
      %add3A_270 = arith.constant 112 : i32
      %add3A_271 = arith.addi %mul3A_269, %add3A_270 : i32
      %get3A_272 = arith.index_cast %add3A_271 : i32 to index
      %get3A_273 = tpu.vector_load %arg8[%get3A_272] {strides = array<i32>} : memref<6272xi32, #tpu.memory_space<vmem>>, vector<16xi32>,
      %get3A_274 = vector.shape_cast %get3A_273 : vector<16xi32> to vector<16xi32>
      %mul3A_275 = arith.constant 512 : i32
      %mul3A_276 = vector.broadcast %mul3A_275 : i32 to vector<16xi32>
      %mul3A_277 = arith.muli %get3A_274, %mul3A_276 : vector<16xi32>
      %add3A_278 = arith.addi %mul3A_277, %get3A_267 : vector<16xi32>
      %add3A_279 = arith.constant 0 : i32
      %add3A_280 = vector.broadcast %add3A_279 : i32 to vector<16xi32>
      %add3A_281 = arith.addi %add3A_278, %add3A_280 : vector<16xi32>
      %mul3A_282 = arith.constant 128 : i32
      %mul3A_283 = arith.muli %scan3A_58, %mul3A_282 : i32
      %add3A_284 = arith.constant 112 : i32
      %add3A_285 = arith.addi %mul3A_283, %add3A_284 : i32
      %swap3A_286 = arith.index_cast %add3A_285 : i32 to index
      %swap3A_287 = tpu.vector_load %arg9[%swap3A_286] {strides = array<i32>} : memref<6272xi32, #tpu.memory_space<vmem>>, vector<16xi32>,
      %swap3A_288 = vector.shape_cast %swap3A_287 : vector<16xi32> to vector<16xi32>
      %swap3A_289 = vector.shape_cast %add3A_281 : vector<16xi32> to vector<16xi32>
      tpu.vector_store %arg9[%swap3A_286], %swap3A_289 {strides = array<i32>} : memref<6272xi32, #tpu.memory_space<vmem>>, vector<16xi32>,
      %scan3A_290 = arith.constant 0 : i32
      scf.yield %scan3A_290 : i32
    }
    %scan3A_14 = arith.constant 49 : i32
    "tpu.region"() ({
      %run_scoped3A = tpu.sem_alloc : memref<!tpu.dma_semaphore, #tpu.memory_space<semaphore_mem>>
      %dma_start3A = arith.constant 0 : i32
      %dma_start3A_58 = tpu.memref_slice %arg12[%dma_start3A] : memref<786560xf32, #tpu.memory_space<vmem_shared>> -> memref<786560xf32, #tpu.memory_space<vmem_shared>>
      tpu.enqueue_indirect_dma source(%arg10 : memref<6272xf32, #tpu.memory_space<vmem>>) target(%dma_start3A_58 : memref<786560xf32, #tpu.memory_space<vmem_shared>>) offsets(%arg9 : memref<6272xi32, #tpu.memory_space<vmem>>) semaphore(%run_scoped3A : memref<!tpu.dma_semaphore, #tpu.memory_space<semaphore_mem>>) {add = true}
      %dma_wait3A = arith.constant 0 : i32
      %dma_wait3A_59 = tpu.memref_slice %arg12[%dma_wait3A] : memref<786560xf32, #tpu.memory_space<vmem_shared>> -> memref<786560xf32, #tpu.memory_space<vmem_shared>>
      tpu.wait_indirect_dma semaphore(%run_scoped3A : memref<!tpu.dma_semaphore, #tpu.memory_space<semaphore_mem>>) src(%arg10 : memref<6272xf32, #tpu.memory_space<vmem>>) dst(%dma_wait3A_59 : memref<786560xf32, #tpu.memory_space<vmem_shared>>)
      tpu.yield
    }) : () -> ()
    %mul3A_15 = arith.constant 3 : i32
    %mul3A_16 = arith.muli %arg0, %mul3A_15 : i32
    %add3A_17 = arith.constant 1 : i32
    %add3A_18 = arith.addi %mul3A_16, %add3A_17 : i32
    %mul3A_19 = arith.constant 100352 : i32
    %mul3A_20 = arith.muli %add3A_18, %mul3A_19 : i32
    %mul3A_21 = arith.constant 6272 : i32
    %mul3A_22 = arith.muli %arg1, %mul3A_21 : i32
    %add3A_23 = arith.addi %mul3A_20, %mul3A_22 : i32
    %multiple_of3A_24 = tpu.assume_multiple %add3A_23, 128 : i32
    "tpu.region"() ({
      %run_scoped3A = tpu.sem_alloc : memref<!tpu.dma_semaphore, #tpu.memory_space<semaphore_mem>>
      %dma_start3A = tpu.memref_slice %arg2[%multiple_of3A_24] : memref<602112xi32, #tpu.memory_space<hbm>> -> memref<6272xi32, #tpu.memory_space<hbm>>
      %dma_start3A_58 = tpu.memref_slice %arg2[%multiple_of3A_24] : memref<602112xi32, #tpu.memory_space<hbm>> -> memref<6272xi32, #tpu.memory_space<hbm>>
      tpu.enqueue_dma source(%dma_start3A_58 : memref<6272xi32, #tpu.memory_space<hbm>>) target(%arg7 : memref<6272xi32, #tpu.memory_space<vmem>>) target_semaphore(%run_scoped3A : memref<!tpu.dma_semaphore, #tpu.memory_space<semaphore_mem>>)
      %dma_wait3A = tpu.memref_slice %arg2[%multiple_of3A_24] : memref<602112xi32, #tpu.memory_space<hbm>> -> memref<6272xi32, #tpu.memory_space<hbm>>
      %dma_wait3A_59 = tpu.memref_slice %arg2[%multiple_of3A_24] : memref<602112xi32, #tpu.memory_space<hbm>> -> memref<6272xi32, #tpu.memory_space<hbm>>
      tpu.wait_dma2 semaphore(%run_scoped3A : memref<!tpu.dma_semaphore, #tpu.memory_space<semaphore_mem>>) src(%dma_wait3A_59 : memref<6272xi32, #tpu.memory_space<hbm>>) dst(%arg7 : memref<6272xi32, #tpu.memory_space<vmem>>)
      tpu.yield
    }) : () -> ()
    "tpu.region"() ({
      %run_scoped3A = tpu.sem_alloc : memref<!tpu.dma_semaphore, #tpu.memory_space<semaphore_mem>>
      %dma_start3A = tpu.memref_slice %arg3[%multiple_of3A_24] : memref<602112xi32, #tpu.memory_space<hbm>> -> memref<6272xi32, #tpu.memory_space<hbm>>
      %dma_start3A_58 = tpu.memref_slice %arg3[%multiple_of3A_24] : memref<602112xi32, #tpu.memory_space<hbm>> -> memref<6272xi32, #tpu.memory_space<hbm>>
      tpu.enqueue_dma source(%dma_start3A_58 : memref<6272xi32, #tpu.memory_space<hbm>>) target(%arg8 : memref<6272xi32, #tpu.memory_space<vmem>>) target_semaphore(%run_scoped3A : memref<!tpu.dma_semaphore, #tpu.memory_space<semaphore_mem>>)
      %dma_wait3A = tpu.memref_slice %arg3[%multiple_of3A_24] : memref<602112xi32, #tpu.memory_space<hbm>> -> memref<6272xi32, #tpu.memory_space<hbm>>
      %dma_wait3A_59 = tpu.memref_slice %arg3[%multiple_of3A_24] : memref<602112xi32, #tpu.memory_space<hbm>> -> memref<6272xi32, #tpu.memory_space<hbm>>
      tpu.wait_dma2 semaphore(%run_scoped3A : memref<!tpu.dma_semaphore, #tpu.memory_space<semaphore_mem>>) src(%dma_wait3A_59 : memref<6272xi32, #tpu.memory_space<hbm>>) dst(%arg8 : memref<6272xi32, #tpu.memory_space<vmem>>)
      tpu.yield
    }) : () -> ()
    %scan3A_25 = arith.constant 0 : i32
    %scan3A_26 = arith.constant 0 : i32
    %scan3A_27 = arith.constant 49 : i32
    %scan3A_28 = arith.addi %scan3A_26, %scan3A_27 : i32
    %scan3A_29 = arith.constant 1 : i32
    %scan3A_30 = scf.for %scan3A_58 = %scan3A_26 to %scan3A_28 step %scan3A_29 iter_args(%scan3A_59 = %scan3A_25) -> (i32)  : i32 {
      %mul3A_60 = arith.constant 128 : i32
      %mul3A_61 = arith.muli %scan3A_58, %mul3A_60 : i32
      %add3A_62 = arith.constant 0 : i32
      %add3A_63 = arith.addi %mul3A_61, %add3A_62 : i32
      %get3A = arith.index_cast %add3A_63 : i32 to index
      %get3A_64 = tpu.vector_load %arg7[%get3A] {strides = array<i32>} : memref<6272xi32, #tpu.memory_space<vmem>>, vector<16xi32>,
      %get3A_65 = vector.shape_cast %get3A_64 : vector<16xi32> to vector<16xi32>
      %mul3A_66 = arith.constant 128 : i32
      %mul3A_67 = arith.muli %scan3A_58, %mul3A_66 : i32
      %add3A_68 = arith.constant 0 : i32
      %add3A_69 = arith.addi %mul3A_67, %add3A_68 : i32
      %get3A_70 = arith.index_cast %add3A_69 : i32 to index
      %get3A_71 = tpu.vector_load %arg8[%get3A_70] {strides = array<i32>} : memref<6272xi32, #tpu.memory_space<vmem>>, vector<16xi32>,
      %get3A_72 = vector.shape_cast %get3A_71 : vector<16xi32> to vector<16xi32>
      %mul3A_73 = arith.constant 512 : i32
      %mul3A_74 = vector.broadcast %mul3A_73 : i32 to vector<16xi32>
      %mul3A_75 = arith.muli %get3A_72, %mul3A_74 : vector<16xi32>
      %add3A_76 = arith.addi %mul3A_75, %get3A_65 : vector<16xi32>
      %add3A_77 = arith.constant 262144 : i32
      %add3A_78 = vector.broadcast %add3A_77 : i32 to vector<16xi32>
      %add3A_79 = arith.addi %add3A_76, %add3A_78 : vector<16xi32>
      %mul3A_80 = arith.constant 128 : i32
      %mul3A_81 = arith.muli %scan3A_58, %mul3A_80 : i32
      %add3A_82 = arith.constant 0 : i32
      %add3A_83 = arith.addi %mul3A_81, %add3A_82 : i32
      %swap3A = arith.index_cast %add3A_83 : i32 to index
      %swap3A_84 = tpu.vector_load %arg9[%swap3A] {strides = array<i32>} : memref<6272xi32, #tpu.memory_space<vmem>>, vector<16xi32>,
      %swap3A_85 = vector.shape_cast %swap3A_84 : vector<16xi32> to vector<16xi32>
      %swap3A_86 = vector.shape_cast %add3A_79 : vector<16xi32> to vector<16xi32>
      tpu.vector_store %arg9[%swap3A], %swap3A_86 {strides = array<i32>} : memref<6272xi32, #tpu.memory_space<vmem>>, vector<16xi32>,
      %mul3A_87 = arith.constant 128 : i32
      %mul3A_88 = arith.muli %scan3A_58, %mul3A_87 : i32
      %add3A_89 = arith.constant 16 : i32
      %add3A_90 = arith.addi %mul3A_88, %add3A_89 : i32
      %get3A_91 = arith.index_cast %add3A_90 : i32 to index
      %get3A_92 = tpu.vector_load %arg7[%get3A_91] {strides = array<i32>} : memref<6272xi32, #tpu.memory_space<vmem>>, vector<16xi32>,
      %get3A_93 = vector.shape_cast %get3A_92 : vector<16xi32> to vector<16xi32>
      %mul3A_94 = arith.constant 128 : i32
      %mul3A_95 = arith.muli %scan3A_58, %mul3A_94 : i32
      %add3A_96 = arith.constant 16 : i32
      %add3A_97 = arith.addi %mul3A_95, %add3A_96 : i32
      %get3A_98 = arith.index_cast %add3A_97 : i32 to index
      %get3A_99 = tpu.vector_load %arg8[%get3A_98] {strides = array<i32>} : memref<6272xi32, #tpu.memory_space<vmem>>, vector<16xi32>,
      %get3A_100 = vector.shape_cast %get3A_99 : vector<16xi32> to vector<16xi32>
      %mul3A_101 = arith.constant 512 : i32
      %mul3A_102 = vector.broadcast %mul3A_101 : i32 to vector<16xi32>
      %mul3A_103 = arith.muli %get3A_100, %mul3A_102 : vector<16xi32>
      %add3A_104 = arith.addi %mul3A_103, %get3A_93 : vector<16xi32>
      %add3A_105 = arith.constant 262144 : i32
      %add3A_106 = vector.broadcast %add3A_105 : i32 to vector<16xi32>
      %add3A_107 = arith.addi %add3A_104, %add3A_106 : vector<16xi32>
      %mul3A_108 = arith.constant 128 : i32
      %mul3A_109 = arith.muli %scan3A_58, %mul3A_108 : i32
      %add3A_110 = arith.constant 16 : i32
      %add3A_111 = arith.addi %mul3A_109, %add3A_110 : i32
      %swap3A_112 = arith.index_cast %add3A_111 : i32 to index
      %swap3A_113 = tpu.vector_load %arg9[%swap3A_112] {strides = array<i32>} : memref<6272xi32, #tpu.memory_space<vmem>>, vector<16xi32>,
      %swap3A_114 = vector.shape_cast %swap3A_113 : vector<16xi32> to vector<16xi32>
      %swap3A_115 = vector.shape_cast %add3A_107 : vector<16xi32> to vector<16xi32>
      tpu.vector_store %arg9[%swap3A_112], %swap3A_115 {strides = array<i32>} : memref<6272xi32, #tpu.memory_space<vmem>>, vector<16xi32>,
      %mul3A_116 = arith.constant 128 : i32
      %mul3A_117 = arith.muli %scan3A_58, %mul3A_116 : i32
      %add3A_118 = arith.constant 32 : i32
      %add3A_119 = arith.addi %mul3A_117, %add3A_118 : i32
      %get3A_120 = arith.index_cast %add3A_119 : i32 to index
      %get3A_121 = tpu.vector_load %arg7[%get3A_120] {strides = array<i32>} : memref<6272xi32, #tpu.memory_space<vmem>>, vector<16xi32>,
      %get3A_122 = vector.shape_cast %get3A_121 : vector<16xi32> to vector<16xi32>
      %mul3A_123 = arith.constant 128 : i32
      %mul3A_124 = arith.muli %scan3A_58, %mul3A_123 : i32
      %add3A_125 = arith.constant 32 : i32
      %add3A_126 = arith.addi %mul3A_124, %add3A_125 : i32
      %get3A_127 = arith.index_cast %add3A_126 : i32 to index
      %get3A_128 = tpu.vector_load %arg8[%get3A_127] {strides = array<i32>} : memref<6272xi32, #tpu.memory_space<vmem>>, vector<16xi32>,
      %get3A_129 = vector.shape_cast %get3A_128 : vector<16xi32> to vector<16xi32>
      %mul3A_130 = arith.constant 512 : i32
      %mul3A_131 = vector.broadcast %mul3A_130 : i32 to vector<16xi32>
      %mul3A_132 = arith.muli %get3A_129, %mul3A_131 : vector<16xi32>
      %add3A_133 = arith.addi %mul3A_132, %get3A_122 : vector<16xi32>
      %add3A_134 = arith.constant 262144 : i32
      %add3A_135 = vector.broadcast %add3A_134 : i32 to vector<16xi32>
      %add3A_136 = arith.addi %add3A_133, %add3A_135 : vector<16xi32>
      %mul3A_137 = arith.constant 128 : i32
      %mul3A_138 = arith.muli %scan3A_58, %mul3A_137 : i32
      %add3A_139 = arith.constant 32 : i32
      %add3A_140 = arith.addi %mul3A_138, %add3A_139 : i32
      %swap3A_141 = arith.index_cast %add3A_140 : i32 to index
      %swap3A_142 = tpu.vector_load %arg9[%swap3A_141] {strides = array<i32>} : memref<6272xi32, #tpu.memory_space<vmem>>, vector<16xi32>,
      %swap3A_143 = vector.shape_cast %swap3A_142 : vector<16xi32> to vector<16xi32>
      %swap3A_144 = vector.shape_cast %add3A_136 : vector<16xi32> to vector<16xi32>
      tpu.vector_store %arg9[%swap3A_141], %swap3A_144 {strides = array<i32>} : memref<6272xi32, #tpu.memory_space<vmem>>, vector<16xi32>,
      %mul3A_145 = arith.constant 128 : i32
      %mul3A_146 = arith.muli %scan3A_58, %mul3A_145 : i32
      %add3A_147 = arith.constant 48 : i32
      %add3A_148 = arith.addi %mul3A_146, %add3A_147 : i32
      %get3A_149 = arith.index_cast %add3A_148 : i32 to index
      %get3A_150 = tpu.vector_load %arg7[%get3A_149] {strides = array<i32>} : memref<6272xi32, #tpu.memory_space<vmem>>, vector<16xi32>,
      %get3A_151 = vector.shape_cast %get3A_150 : vector<16xi32> to vector<16xi32>
      %mul3A_152 = arith.constant 128 : i32
      %mul3A_153 = arith.muli %scan3A_58, %mul3A_152 : i32
      %add3A_154 = arith.constant 48 : i32
      %add3A_155 = arith.addi %mul3A_153, %add3A_154 : i32
      %get3A_156 = arith.index_cast %add3A_155 : i32 to index
      %get3A_157 = tpu.vector_load %arg8[%get3A_156] {strides = array<i32>} : memref<6272xi32, #tpu.memory_space<vmem>>, vector<16xi32>,
      %get3A_158 = vector.shape_cast %get3A_157 : vector<16xi32> to vector<16xi32>
      %mul3A_159 = arith.constant 512 : i32
      %mul3A_160 = vector.broadcast %mul3A_159 : i32 to vector<16xi32>
      %mul3A_161 = arith.muli %get3A_158, %mul3A_160 : vector<16xi32>
      %add3A_162 = arith.addi %mul3A_161, %get3A_151 : vector<16xi32>
      %add3A_163 = arith.constant 262144 : i32
      %add3A_164 = vector.broadcast %add3A_163 : i32 to vector<16xi32>
      %add3A_165 = arith.addi %add3A_162, %add3A_164 : vector<16xi32>
      %mul3A_166 = arith.constant 128 : i32
      %mul3A_167 = arith.muli %scan3A_58, %mul3A_166 : i32
      %add3A_168 = arith.constant 48 : i32
      %add3A_169 = arith.addi %mul3A_167, %add3A_168 : i32
      %swap3A_170 = arith.index_cast %add3A_169 : i32 to index
      %swap3A_171 = tpu.vector_load %arg9[%swap3A_170] {strides = array<i32>} : memref<6272xi32, #tpu.memory_space<vmem>>, vector<16xi32>,
      %swap3A_172 = vector.shape_cast %swap3A_171 : vector<16xi32> to vector<16xi32>
      %swap3A_173 = vector.shape_cast %add3A_165 : vector<16xi32> to vector<16xi32>
      tpu.vector_store %arg9[%swap3A_170], %swap3A_173 {strides = array<i32>} : memref<6272xi32, #tpu.memory_space<vmem>>, vector<16xi32>,
      %mul3A_174 = arith.constant 128 : i32
      %mul3A_175 = arith.muli %scan3A_58, %mul3A_174 : i32
      %add3A_176 = arith.constant 64 : i32
      %add3A_177 = arith.addi %mul3A_175, %add3A_176 : i32
      %get3A_178 = arith.index_cast %add3A_177 : i32 to index
      %get3A_179 = tpu.vector_load %arg7[%get3A_178] {strides = array<i32>} : memref<6272xi32, #tpu.memory_space<vmem>>, vector<16xi32>,
      %get3A_180 = vector.shape_cast %get3A_179 : vector<16xi32> to vector<16xi32>
      %mul3A_181 = arith.constant 128 : i32
      %mul3A_182 = arith.muli %scan3A_58, %mul3A_181 : i32
      %add3A_183 = arith.constant 64 : i32
      %add3A_184 = arith.addi %mul3A_182, %add3A_183 : i32
      %get3A_185 = arith.index_cast %add3A_184 : i32 to index
      %get3A_186 = tpu.vector_load %arg8[%get3A_185] {strides = array<i32>} : memref<6272xi32, #tpu.memory_space<vmem>>, vector<16xi32>,
      %get3A_187 = vector.shape_cast %get3A_186 : vector<16xi32> to vector<16xi32>
      %mul3A_188 = arith.constant 512 : i32
      %mul3A_189 = vector.broadcast %mul3A_188 : i32 to vector<16xi32>
      %mul3A_190 = arith.muli %get3A_187, %mul3A_189 : vector<16xi32>
      %add3A_191 = arith.addi %mul3A_190, %get3A_180 : vector<16xi32>
      %add3A_192 = arith.constant 262144 : i32
      %add3A_193 = vector.broadcast %add3A_192 : i32 to vector<16xi32>
      %add3A_194 = arith.addi %add3A_191, %add3A_193 : vector<16xi32>
      %mul3A_195 = arith.constant 128 : i32
      %mul3A_196 = arith.muli %scan3A_58, %mul3A_195 : i32
      %add3A_197 = arith.constant 64 : i32
      %add3A_198 = arith.addi %mul3A_196, %add3A_197 : i32
      %swap3A_199 = arith.index_cast %add3A_198 : i32 to index
      %swap3A_200 = tpu.vector_load %arg9[%swap3A_199] {strides = array<i32>} : memref<6272xi32, #tpu.memory_space<vmem>>, vector<16xi32>,
      %swap3A_201 = vector.shape_cast %swap3A_200 : vector<16xi32> to vector<16xi32>
      %swap3A_202 = vector.shape_cast %add3A_194 : vector<16xi32> to vector<16xi32>
      tpu.vector_store %arg9[%swap3A_199], %swap3A_202 {strides = array<i32>} : memref<6272xi32, #tpu.memory_space<vmem>>, vector<16xi32>,
      %mul3A_203 = arith.constant 128 : i32
      %mul3A_204 = arith.muli %scan3A_58, %mul3A_203 : i32
      %add3A_205 = arith.constant 80 : i32
      %add3A_206 = arith.addi %mul3A_204, %add3A_205 : i32
      %get3A_207 = arith.index_cast %add3A_206 : i32 to index
      %get3A_208 = tpu.vector_load %arg7[%get3A_207] {strides = array<i32>} : memref<6272xi32, #tpu.memory_space<vmem>>, vector<16xi32>,
      %get3A_209 = vector.shape_cast %get3A_208 : vector<16xi32> to vector<16xi32>
      %mul3A_210 = arith.constant 128 : i32
      %mul3A_211 = arith.muli %scan3A_58, %mul3A_210 : i32
      %add3A_212 = arith.constant 80 : i32
      %add3A_213 = arith.addi %mul3A_211, %add3A_212 : i32
      %get3A_214 = arith.index_cast %add3A_213 : i32 to index
      %get3A_215 = tpu.vector_load %arg8[%get3A_214] {strides = array<i32>} : memref<6272xi32, #tpu.memory_space<vmem>>, vector<16xi32>,
      %get3A_216 = vector.shape_cast %get3A_215 : vector<16xi32> to vector<16xi32>
      %mul3A_217 = arith.constant 512 : i32
      %mul3A_218 = vector.broadcast %mul3A_217 : i32 to vector<16xi32>
      %mul3A_219 = arith.muli %get3A_216, %mul3A_218 : vector<16xi32>
      %add3A_220 = arith.addi %mul3A_219, %get3A_209 : vector<16xi32>
      %add3A_221 = arith.constant 262144 : i32
      %add3A_222 = vector.broadcast %add3A_221 : i32 to vector<16xi32>
      %add3A_223 = arith.addi %add3A_220, %add3A_222 : vector<16xi32>
      %mul3A_224 = arith.constant 128 : i32
      %mul3A_225 = arith.muli %scan3A_58, %mul3A_224 : i32
      %add3A_226 = arith.constant 80 : i32
      %add3A_227 = arith.addi %mul3A_225, %add3A_226 : i32
      %swap3A_228 = arith.index_cast %add3A_227 : i32 to index
      %swap3A_229 = tpu.vector_load %arg9[%swap3A_228] {strides = array<i32>} : memref<6272xi32, #tpu.memory_space<vmem>>, vector<16xi32>,
      %swap3A_230 = vector.shape_cast %swap3A_229 : vector<16xi32> to vector<16xi32>
      %swap3A_231 = vector.shape_cast %add3A_223 : vector<16xi32> to vector<16xi32>
      tpu.vector_store %arg9[%swap3A_228], %swap3A_231 {strides = array<i32>} : memref<6272xi32, #tpu.memory_space<vmem>>, vector<16xi32>,
      %mul3A_232 = arith.constant 128 : i32
      %mul3A_233 = arith.muli %scan3A_58, %mul3A_232 : i32
      %add3A_234 = arith.constant 96 : i32
      %add3A_235 = arith.addi %mul3A_233, %add3A_234 : i32
      %get3A_236 = arith.index_cast %add3A_235 : i32 to index
      %get3A_237 = tpu.vector_load %arg7[%get3A_236] {strides = array<i32>} : memref<6272xi32, #tpu.memory_space<vmem>>, vector<16xi32>,
      %get3A_238 = vector.shape_cast %get3A_237 : vector<16xi32> to vector<16xi32>
      %mul3A_239 = arith.constant 128 : i32
      %mul3A_240 = arith.muli %scan3A_58, %mul3A_239 : i32
      %add3A_241 = arith.constant 96 : i32
      %add3A_242 = arith.addi %mul3A_240, %add3A_241 : i32
      %get3A_243 = arith.index_cast %add3A_242 : i32 to index
      %get3A_244 = tpu.vector_load %arg8[%get3A_243] {strides = array<i32>} : memref<6272xi32, #tpu.memory_space<vmem>>, vector<16xi32>,
      %get3A_245 = vector.shape_cast %get3A_244 : vector<16xi32> to vector<16xi32>
      %mul3A_246 = arith.constant 512 : i32
      %mul3A_247 = vector.broadcast %mul3A_246 : i32 to vector<16xi32>
      %mul3A_248 = arith.muli %get3A_245, %mul3A_247 : vector<16xi32>
      %add3A_249 = arith.addi %mul3A_248, %get3A_238 : vector<16xi32>
      %add3A_250 = arith.constant 262144 : i32
      %add3A_251 = vector.broadcast %add3A_250 : i32 to vector<16xi32>
      %add3A_252 = arith.addi %add3A_249, %add3A_251 : vector<16xi32>
      %mul3A_253 = arith.constant 128 : i32
      %mul3A_254 = arith.muli %scan3A_58, %mul3A_253 : i32
      %add3A_255 = arith.constant 96 : i32
      %add3A_256 = arith.addi %mul3A_254, %add3A_255 : i32
      %swap3A_257 = arith.index_cast %add3A_256 : i32 to index
      %swap3A_258 = tpu.vector_load %arg9[%swap3A_257] {strides = array<i32>} : memref<6272xi32, #tpu.memory_space<vmem>>, vector<16xi32>,
      %swap3A_259 = vector.shape_cast %swap3A_258 : vector<16xi32> to vector<16xi32>
      %swap3A_260 = vector.shape_cast %add3A_252 : vector<16xi32> to vector<16xi32>
      tpu.vector_store %arg9[%swap3A_257], %swap3A_260 {strides = array<i32>} : memref<6272xi32, #tpu.memory_space<vmem>>, vector<16xi32>,
      %mul3A_261 = arith.constant 128 : i32
      %mul3A_262 = arith.muli %scan3A_58, %mul3A_261 : i32
      %add3A_263 = arith.constant 112 : i32
      %add3A_264 = arith.addi %mul3A_262, %add3A_263 : i32
      %get3A_265 = arith.index_cast %add3A_264 : i32 to index
      %get3A_266 = tpu.vector_load %arg7[%get3A_265] {strides = array<i32>} : memref<6272xi32, #tpu.memory_space<vmem>>, vector<16xi32>,
      %get3A_267 = vector.shape_cast %get3A_266 : vector<16xi32> to vector<16xi32>
      %mul3A_268 = arith.constant 128 : i32
      %mul3A_269 = arith.muli %scan3A_58, %mul3A_268 : i32
      %add3A_270 = arith.constant 112 : i32
      %add3A_271 = arith.addi %mul3A_269, %add3A_270 : i32
      %get3A_272 = arith.index_cast %add3A_271 : i32 to index
      %get3A_273 = tpu.vector_load %arg8[%get3A_272] {strides = array<i32>} : memref<6272xi32, #tpu.memory_space<vmem>>, vector<16xi32>,
      %get3A_274 = vector.shape_cast %get3A_273 : vector<16xi32> to vector<16xi32>
      %mul3A_275 = arith.constant 512 : i32
      %mul3A_276 = vector.broadcast %mul3A_275 : i32 to vector<16xi32>
      %mul3A_277 = arith.muli %get3A_274, %mul3A_276 : vector<16xi32>
      %add3A_278 = arith.addi %mul3A_277, %get3A_267 : vector<16xi32>
      %add3A_279 = arith.constant 262144 : i32
      %add3A_280 = vector.broadcast %add3A_279 : i32 to vector<16xi32>
      %add3A_281 = arith.addi %add3A_278, %add3A_280 : vector<16xi32>
      %mul3A_282 = arith.constant 128 : i32
      %mul3A_283 = arith.muli %scan3A_58, %mul3A_282 : i32
      %add3A_284 = arith.constant 112 : i32
      %add3A_285 = arith.addi %mul3A_283, %add3A_284 : i32
      %swap3A_286 = arith.index_cast %add3A_285 : i32 to index
      %swap3A_287 = tpu.vector_load %arg9[%swap3A_286] {strides = array<i32>} : memref<6272xi32, #tpu.memory_space<vmem>>, vector<16xi32>,
      %swap3A_288 = vector.shape_cast %swap3A_287 : vector<16xi32> to vector<16xi32>
      %swap3A_289 = vector.shape_cast %add3A_281 : vector<16xi32> to vector<16xi32>
      tpu.vector_store %arg9[%swap3A_286], %swap3A_289 {strides = array<i32>} : memref<6272xi32, #tpu.memory_space<vmem>>, vector<16xi32>,
      %scan3A_290 = arith.constant 0 : i32
      scf.yield %scan3A_290 : i32
    }
    %scan3A_31 = arith.constant 49 : i32
    "tpu.region"() ({
      %run_scoped3A = tpu.sem_alloc : memref<!tpu.dma_semaphore, #tpu.memory_space<semaphore_mem>>
      %dma_start3A = arith.constant 0 : i32
      %dma_start3A_58 = tpu.memref_slice %arg12[%dma_start3A] : memref<786560xf32, #tpu.memory_space<vmem_shared>> -> memref<786560xf32, #tpu.memory_space<vmem_shared>>
      tpu.enqueue_indirect_dma source(%arg10 : memref<6272xf32, #tpu.memory_space<vmem>>) target(%dma_start3A_58 : memref<786560xf32, #tpu.memory_space<vmem_shared>>) offsets(%arg9 : memref<6272xi32, #tpu.memory_space<vmem>>) semaphore(%run_scoped3A : memref<!tpu.dma_semaphore, #tpu.memory_space<semaphore_mem>>) {add = true}
      %dma_wait3A = arith.constant 0 : i32
      %dma_wait3A_59 = tpu.memref_slice %arg12[%dma_wait3A] : memref<786560xf32, #tpu.memory_space<vmem_shared>> -> memref<786560xf32, #tpu.memory_space<vmem_shared>>
      tpu.wait_indirect_dma semaphore(%run_scoped3A : memref<!tpu.dma_semaphore, #tpu.memory_space<semaphore_mem>>) src(%arg10 : memref<6272xf32, #tpu.memory_space<vmem>>) dst(%dma_wait3A_59 : memref<786560xf32, #tpu.memory_space<vmem_shared>>)
      tpu.yield
    }) : () -> ()
    %mul3A_32 = arith.constant 3 : i32
    %mul3A_33 = arith.muli %arg0, %mul3A_32 : i32
    %add3A_34 = arith.constant 2 : i32
    %add3A_35 = arith.addi %mul3A_33, %add3A_34 : i32
    %mul3A_36 = arith.constant 100352 : i32
    %mul3A_37 = arith.muli %add3A_35, %mul3A_36 : i32
    %mul3A_38 = arith.constant 6272 : i32
    %mul3A_39 = arith.muli %arg1, %mul3A_38 : i32
    %add3A_40 = arith.addi %mul3A_37, %mul3A_39 : i32
    %multiple_of3A_41 = tpu.assume_multiple %add3A_40, 128 : i32
    "tpu.region"() ({
      %run_scoped3A = tpu.sem_alloc : memref<!tpu.dma_semaphore, #tpu.memory_space<semaphore_mem>>
      %dma_start3A = tpu.memref_slice %arg2[%multiple_of3A_41] : memref<602112xi32, #tpu.memory_space<hbm>> -> memref<6272xi32, #tpu.memory_space<hbm>>
      %dma_start3A_58 = tpu.memref_slice %arg2[%multiple_of3A_41] : memref<602112xi32, #tpu.memory_space<hbm>> -> memref<6272xi32, #tpu.memory_space<hbm>>
      tpu.enqueue_dma source(%dma_start3A_58 : memref<6272xi32, #tpu.memory_space<hbm>>) target(%arg7 : memref<6272xi32, #tpu.memory_space<vmem>>) target_semaphore(%run_scoped3A : memref<!tpu.dma_semaphore, #tpu.memory_space<semaphore_mem>>)
      %dma_wait3A = tpu.memref_slice %arg2[%multiple_of3A_41] : memref<602112xi32, #tpu.memory_space<hbm>> -> memref<6272xi32, #tpu.memory_space<hbm>>
      %dma_wait3A_59 = tpu.memref_slice %arg2[%multiple_of3A_41] : memref<602112xi32, #tpu.memory_space<hbm>> -> memref<6272xi32, #tpu.memory_space<hbm>>
      tpu.wait_dma2 semaphore(%run_scoped3A : memref<!tpu.dma_semaphore, #tpu.memory_space<semaphore_mem>>) src(%dma_wait3A_59 : memref<6272xi32, #tpu.memory_space<hbm>>) dst(%arg7 : memref<6272xi32, #tpu.memory_space<vmem>>)
      tpu.yield
    }) : () -> ()
    "tpu.region"() ({
      %run_scoped3A = tpu.sem_alloc : memref<!tpu.dma_semaphore, #tpu.memory_space<semaphore_mem>>
      %dma_start3A = tpu.memref_slice %arg3[%multiple_of3A_41] : memref<602112xi32, #tpu.memory_space<hbm>> -> memref<6272xi32, #tpu.memory_space<hbm>>
      %dma_start3A_58 = tpu.memref_slice %arg3[%multiple_of3A_41] : memref<602112xi32, #tpu.memory_space<hbm>> -> memref<6272xi32, #tpu.memory_space<hbm>>
      tpu.enqueue_dma source(%dma_start3A_58 : memref<6272xi32, #tpu.memory_space<hbm>>) target(%arg8 : memref<6272xi32, #tpu.memory_space<vmem>>) target_semaphore(%run_scoped3A : memref<!tpu.dma_semaphore, #tpu.memory_space<semaphore_mem>>)
      %dma_wait3A = tpu.memref_slice %arg3[%multiple_of3A_41] : memref<602112xi32, #tpu.memory_space<hbm>> -> memref<6272xi32, #tpu.memory_space<hbm>>
      %dma_wait3A_59 = tpu.memref_slice %arg3[%multiple_of3A_41] : memref<602112xi32, #tpu.memory_space<hbm>> -> memref<6272xi32, #tpu.memory_space<hbm>>
      tpu.wait_dma2 semaphore(%run_scoped3A : memref<!tpu.dma_semaphore, #tpu.memory_space<semaphore_mem>>) src(%dma_wait3A_59 : memref<6272xi32, #tpu.memory_space<hbm>>) dst(%arg8 : memref<6272xi32, #tpu.memory_space<vmem>>)
      tpu.yield
    }) : () -> ()
    %scan3A_42 = arith.constant 0 : i32
    %scan3A_43 = arith.constant 0 : i32
    %scan3A_44 = arith.constant 49 : i32
    %scan3A_45 = arith.addi %scan3A_43, %scan3A_44 : i32
    %scan3A_46 = arith.constant 1 : i32
    %scan3A_47 = scf.for %scan3A_58 = %scan3A_43 to %scan3A_45 step %scan3A_46 iter_args(%scan3A_59 = %scan3A_42) -> (i32)  : i32 {
      %mul3A_60 = arith.constant 128 : i32
      %mul3A_61 = arith.muli %scan3A_58, %mul3A_60 : i32
      %add3A_62 = arith.constant 0 : i32
      %add3A_63 = arith.addi %mul3A_61, %add3A_62 : i32
      %get3A = arith.index_cast %add3A_63 : i32 to index
      %get3A_64 = tpu.vector_load %arg7[%get3A] {strides = array<i32>} : memref<6272xi32, #tpu.memory_space<vmem>>, vector<16xi32>,
      %get3A_65 = vector.shape_cast %get3A_64 : vector<16xi32> to vector<16xi32>
      %mul3A_66 = arith.constant 128 : i32
      %mul3A_67 = arith.muli %scan3A_58, %mul3A_66 : i32
      %add3A_68 = arith.constant 0 : i32
      %add3A_69 = arith.addi %mul3A_67, %add3A_68 : i32
      %get3A_70 = arith.index_cast %add3A_69 : i32 to index
      %get3A_71 = tpu.vector_load %arg8[%get3A_70] {strides = array<i32>} : memref<6272xi32, #tpu.memory_space<vmem>>, vector<16xi32>,
      %get3A_72 = vector.shape_cast %get3A_71 : vector<16xi32> to vector<16xi32>
      %mul3A_73 = arith.constant 512 : i32
      %mul3A_74 = vector.broadcast %mul3A_73 : i32 to vector<16xi32>
      %mul3A_75 = arith.muli %get3A_72, %mul3A_74 : vector<16xi32>
      %add3A_76 = arith.addi %mul3A_75, %get3A_65 : vector<16xi32>
      %add3A_77 = arith.constant 524288 : i32
      %add3A_78 = vector.broadcast %add3A_77 : i32 to vector<16xi32>
      %add3A_79 = arith.addi %add3A_76, %add3A_78 : vector<16xi32>
      %mul3A_80 = arith.constant 128 : i32
      %mul3A_81 = arith.muli %scan3A_58, %mul3A_80 : i32
      %add3A_82 = arith.constant 0 : i32
      %add3A_83 = arith.addi %mul3A_81, %add3A_82 : i32
      %swap3A = arith.index_cast %add3A_83 : i32 to index
      %swap3A_84 = tpu.vector_load %arg9[%swap3A] {strides = array<i32>} : memref<6272xi32, #tpu.memory_space<vmem>>, vector<16xi32>,
      %swap3A_85 = vector.shape_cast %swap3A_84 : vector<16xi32> to vector<16xi32>
      %swap3A_86 = vector.shape_cast %add3A_79 : vector<16xi32> to vector<16xi32>
      tpu.vector_store %arg9[%swap3A], %swap3A_86 {strides = array<i32>} : memref<6272xi32, #tpu.memory_space<vmem>>, vector<16xi32>,
      %mul3A_87 = arith.constant 128 : i32
      %mul3A_88 = arith.muli %scan3A_58, %mul3A_87 : i32
      %add3A_89 = arith.constant 16 : i32
      %add3A_90 = arith.addi %mul3A_88, %add3A_89 : i32
      %get3A_91 = arith.index_cast %add3A_90 : i32 to index
      %get3A_92 = tpu.vector_load %arg7[%get3A_91] {strides = array<i32>} : memref<6272xi32, #tpu.memory_space<vmem>>, vector<16xi32>,
      %get3A_93 = vector.shape_cast %get3A_92 : vector<16xi32> to vector<16xi32>
      %mul3A_94 = arith.constant 128 : i32
      %mul3A_95 = arith.muli %scan3A_58, %mul3A_94 : i32
      %add3A_96 = arith.constant 16 : i32
      %add3A_97 = arith.addi %mul3A_95, %add3A_96 : i32
      %get3A_98 = arith.index_cast %add3A_97 : i32 to index
      %get3A_99 = tpu.vector_load %arg8[%get3A_98] {strides = array<i32>} : memref<6272xi32, #tpu.memory_space<vmem>>, vector<16xi32>,
      %get3A_100 = vector.shape_cast %get3A_99 : vector<16xi32> to vector<16xi32>
      %mul3A_101 = arith.constant 512 : i32
      %mul3A_102 = vector.broadcast %mul3A_101 : i32 to vector<16xi32>
      %mul3A_103 = arith.muli %get3A_100, %mul3A_102 : vector<16xi32>
      %add3A_104 = arith.addi %mul3A_103, %get3A_93 : vector<16xi32>
      %add3A_105 = arith.constant 524288 : i32
      %add3A_106 = vector.broadcast %add3A_105 : i32 to vector<16xi32>
      %add3A_107 = arith.addi %add3A_104, %add3A_106 : vector<16xi32>
      %mul3A_108 = arith.constant 128 : i32
      %mul3A_109 = arith.muli %scan3A_58, %mul3A_108 : i32
      %add3A_110 = arith.constant 16 : i32
      %add3A_111 = arith.addi %mul3A_109, %add3A_110 : i32
      %swap3A_112 = arith.index_cast %add3A_111 : i32 to index
      %swap3A_113 = tpu.vector_load %arg9[%swap3A_112] {strides = array<i32>} : memref<6272xi32, #tpu.memory_space<vmem>>, vector<16xi32>,
      %swap3A_114 = vector.shape_cast %swap3A_113 : vector<16xi32> to vector<16xi32>
      %swap3A_115 = vector.shape_cast %add3A_107 : vector<16xi32> to vector<16xi32>
      tpu.vector_store %arg9[%swap3A_112], %swap3A_115 {strides = array<i32>} : memref<6272xi32, #tpu.memory_space<vmem>>, vector<16xi32>,
      %mul3A_116 = arith.constant 128 : i32
      %mul3A_117 = arith.muli %scan3A_58, %mul3A_116 : i32
      %add3A_118 = arith.constant 32 : i32
      %add3A_119 = arith.addi %mul3A_117, %add3A_118 : i32
      %get3A_120 = arith.index_cast %add3A_119 : i32 to index
      %get3A_121 = tpu.vector_load %arg7[%get3A_120] {strides = array<i32>} : memref<6272xi32, #tpu.memory_space<vmem>>, vector<16xi32>,
      %get3A_122 = vector.shape_cast %get3A_121 : vector<16xi32> to vector<16xi32>
      %mul3A_123 = arith.constant 128 : i32
      %mul3A_124 = arith.muli %scan3A_58, %mul3A_123 : i32
      %add3A_125 = arith.constant 32 : i32
      %add3A_126 = arith.addi %mul3A_124, %add3A_125 : i32
      %get3A_127 = arith.index_cast %add3A_126 : i32 to index
      %get3A_128 = tpu.vector_load %arg8[%get3A_127] {strides = array<i32>} : memref<6272xi32, #tpu.memory_space<vmem>>, vector<16xi32>,
      %get3A_129 = vector.shape_cast %get3A_128 : vector<16xi32> to vector<16xi32>
      %mul3A_130 = arith.constant 512 : i32
      %mul3A_131 = vector.broadcast %mul3A_130 : i32 to vector<16xi32>
      %mul3A_132 = arith.muli %get3A_129, %mul3A_131 : vector<16xi32>
      %add3A_133 = arith.addi %mul3A_132, %get3A_122 : vector<16xi32>
      %add3A_134 = arith.constant 524288 : i32
      %add3A_135 = vector.broadcast %add3A_134 : i32 to vector<16xi32>
      %add3A_136 = arith.addi %add3A_133, %add3A_135 : vector<16xi32>
      %mul3A_137 = arith.constant 128 : i32
      %mul3A_138 = arith.muli %scan3A_58, %mul3A_137 : i32
      %add3A_139 = arith.constant 32 : i32
      %add3A_140 = arith.addi %mul3A_138, %add3A_139 : i32
      %swap3A_141 = arith.index_cast %add3A_140 : i32 to index
      %swap3A_142 = tpu.vector_load %arg9[%swap3A_141] {strides = array<i32>} : memref<6272xi32, #tpu.memory_space<vmem>>, vector<16xi32>,
      %swap3A_143 = vector.shape_cast %swap3A_142 : vector<16xi32> to vector<16xi32>
      %swap3A_144 = vector.shape_cast %add3A_136 : vector<16xi32> to vector<16xi32>
      tpu.vector_store %arg9[%swap3A_141], %swap3A_144 {strides = array<i32>} : memref<6272xi32, #tpu.memory_space<vmem>>, vector<16xi32>,
      %mul3A_145 = arith.constant 128 : i32
      %mul3A_146 = arith.muli %scan3A_58, %mul3A_145 : i32
      %add3A_147 = arith.constant 48 : i32
      %add3A_148 = arith.addi %mul3A_146, %add3A_147 : i32
      %get3A_149 = arith.index_cast %add3A_148 : i32 to index
      %get3A_150 = tpu.vector_load %arg7[%get3A_149] {strides = array<i32>} : memref<6272xi32, #tpu.memory_space<vmem>>, vector<16xi32>,
      %get3A_151 = vector.shape_cast %get3A_150 : vector<16xi32> to vector<16xi32>
      %mul3A_152 = arith.constant 128 : i32
      %mul3A_153 = arith.muli %scan3A_58, %mul3A_152 : i32
      %add3A_154 = arith.constant 48 : i32
      %add3A_155 = arith.addi %mul3A_153, %add3A_154 : i32
      %get3A_156 = arith.index_cast %add3A_155 : i32 to index
      %get3A_157 = tpu.vector_load %arg8[%get3A_156] {strides = array<i32>} : memref<6272xi32, #tpu.memory_space<vmem>>, vector<16xi32>,
      %get3A_158 = vector.shape_cast %get3A_157 : vector<16xi32> to vector<16xi32>
      %mul3A_159 = arith.constant 512 : i32
      %mul3A_160 = vector.broadcast %mul3A_159 : i32 to vector<16xi32>
      %mul3A_161 = arith.muli %get3A_158, %mul3A_160 : vector<16xi32>
      %add3A_162 = arith.addi %mul3A_161, %get3A_151 : vector<16xi32>
      %add3A_163 = arith.constant 524288 : i32
      %add3A_164 = vector.broadcast %add3A_163 : i32 to vector<16xi32>
      %add3A_165 = arith.addi %add3A_162, %add3A_164 : vector<16xi32>
      %mul3A_166 = arith.constant 128 : i32
      %mul3A_167 = arith.muli %scan3A_58, %mul3A_166 : i32
      %add3A_168 = arith.constant 48 : i32
      %add3A_169 = arith.addi %mul3A_167, %add3A_168 : i32
      %swap3A_170 = arith.index_cast %add3A_169 : i32 to index
      %swap3A_171 = tpu.vector_load %arg9[%swap3A_170] {strides = array<i32>} : memref<6272xi32, #tpu.memory_space<vmem>>, vector<16xi32>,
      %swap3A_172 = vector.shape_cast %swap3A_171 : vector<16xi32> to vector<16xi32>
      %swap3A_173 = vector.shape_cast %add3A_165 : vector<16xi32> to vector<16xi32>
      tpu.vector_store %arg9[%swap3A_170], %swap3A_173 {strides = array<i32>} : memref<6272xi32, #tpu.memory_space<vmem>>, vector<16xi32>,
      %mul3A_174 = arith.constant 128 : i32
      %mul3A_175 = arith.muli %scan3A_58, %mul3A_174 : i32
      %add3A_176 = arith.constant 64 : i32
      %add3A_177 = arith.addi %mul3A_175, %add3A_176 : i32
      %get3A_178 = arith.index_cast %add3A_177 : i32 to index
      %get3A_179 = tpu.vector_load %arg7[%get3A_178] {strides = array<i32>} : memref<6272xi32, #tpu.memory_space<vmem>>, vector<16xi32>,
      %get3A_180 = vector.shape_cast %get3A_179 : vector<16xi32> to vector<16xi32>
      %mul3A_181 = arith.constant 128 : i32
      %mul3A_182 = arith.muli %scan3A_58, %mul3A_181 : i32
      %add3A_183 = arith.constant 64 : i32
      %add3A_184 = arith.addi %mul3A_182, %add3A_183 : i32
      %get3A_185 = arith.index_cast %add3A_184 : i32 to index
      %get3A_186 = tpu.vector_load %arg8[%get3A_185] {strides = array<i32>} : memref<6272xi32, #tpu.memory_space<vmem>>, vector<16xi32>,
      %get3A_187 = vector.shape_cast %get3A_186 : vector<16xi32> to vector<16xi32>
      %mul3A_188 = arith.constant 512 : i32
      %mul3A_189 = vector.broadcast %mul3A_188 : i32 to vector<16xi32>
      %mul3A_190 = arith.muli %get3A_187, %mul3A_189 : vector<16xi32>
      %add3A_191 = arith.addi %mul3A_190, %get3A_180 : vector<16xi32>
      %add3A_192 = arith.constant 524288 : i32
      %add3A_193 = vector.broadcast %add3A_192 : i32 to vector<16xi32>
      %add3A_194 = arith.addi %add3A_191, %add3A_193 : vector<16xi32>
      %mul3A_195 = arith.constant 128 : i32
      %mul3A_196 = arith.muli %scan3A_58, %mul3A_195 : i32
      %add3A_197 = arith.constant 64 : i32
      %add3A_198 = arith.addi %mul3A_196, %add3A_197 : i32
      %swap3A_199 = arith.index_cast %add3A_198 : i32 to index
      %swap3A_200 = tpu.vector_load %arg9[%swap3A_199] {strides = array<i32>} : memref<6272xi32, #tpu.memory_space<vmem>>, vector<16xi32>,
      %swap3A_201 = vector.shape_cast %swap3A_200 : vector<16xi32> to vector<16xi32>
      %swap3A_202 = vector.shape_cast %add3A_194 : vector<16xi32> to vector<16xi32>
      tpu.vector_store %arg9[%swap3A_199], %swap3A_202 {strides = array<i32>} : memref<6272xi32, #tpu.memory_space<vmem>>, vector<16xi32>,
      %mul3A_203 = arith.constant 128 : i32
      %mul3A_204 = arith.muli %scan3A_58, %mul3A_203 : i32
      %add3A_205 = arith.constant 80 : i32
      %add3A_206 = arith.addi %mul3A_204, %add3A_205 : i32
      %get3A_207 = arith.index_cast %add3A_206 : i32 to index
      %get3A_208 = tpu.vector_load %arg7[%get3A_207] {strides = array<i32>} : memref<6272xi32, #tpu.memory_space<vmem>>, vector<16xi32>,
      %get3A_209 = vector.shape_cast %get3A_208 : vector<16xi32> to vector<16xi32>
      %mul3A_210 = arith.constant 128 : i32
      %mul3A_211 = arith.muli %scan3A_58, %mul3A_210 : i32
      %add3A_212 = arith.constant 80 : i32
      %add3A_213 = arith.addi %mul3A_211, %add3A_212 : i32
      %get3A_214 = arith.index_cast %add3A_213 : i32 to index
      %get3A_215 = tpu.vector_load %arg8[%get3A_214] {strides = array<i32>} : memref<6272xi32, #tpu.memory_space<vmem>>, vector<16xi32>,
      %get3A_216 = vector.shape_cast %get3A_215 : vector<16xi32> to vector<16xi32>
      %mul3A_217 = arith.constant 512 : i32
      %mul3A_218 = vector.broadcast %mul3A_217 : i32 to vector<16xi32>
      %mul3A_219 = arith.muli %get3A_216, %mul3A_218 : vector<16xi32>
      %add3A_220 = arith.addi %mul3A_219, %get3A_209 : vector<16xi32>
      %add3A_221 = arith.constant 524288 : i32
      %add3A_222 = vector.broadcast %add3A_221 : i32 to vector<16xi32>
      %add3A_223 = arith.addi %add3A_220, %add3A_222 : vector<16xi32>
      %mul3A_224 = arith.constant 128 : i32
      %mul3A_225 = arith.muli %scan3A_58, %mul3A_224 : i32
      %add3A_226 = arith.constant 80 : i32
      %add3A_227 = arith.addi %mul3A_225, %add3A_226 : i32
      %swap3A_228 = arith.index_cast %add3A_227 : i32 to index
      %swap3A_229 = tpu.vector_load %arg9[%swap3A_228] {strides = array<i32>} : memref<6272xi32, #tpu.memory_space<vmem>>, vector<16xi32>,
      %swap3A_230 = vector.shape_cast %swap3A_229 : vector<16xi32> to vector<16xi32>
      %swap3A_231 = vector.shape_cast %add3A_223 : vector<16xi32> to vector<16xi32>
      tpu.vector_store %arg9[%swap3A_228], %swap3A_231 {strides = array<i32>} : memref<6272xi32, #tpu.memory_space<vmem>>, vector<16xi32>,
      %mul3A_232 = arith.constant 128 : i32
      %mul3A_233 = arith.muli %scan3A_58, %mul3A_232 : i32
      %add3A_234 = arith.constant 96 : i32
      %add3A_235 = arith.addi %mul3A_233, %add3A_234 : i32
      %get3A_236 = arith.index_cast %add3A_235 : i32 to index
      %get3A_237 = tpu.vector_load %arg7[%get3A_236] {strides = array<i32>} : memref<6272xi32, #tpu.memory_space<vmem>>, vector<16xi32>,
      %get3A_238 = vector.shape_cast %get3A_237 : vector<16xi32> to vector<16xi32>
      %mul3A_239 = arith.constant 128 : i32
      %mul3A_240 = arith.muli %scan3A_58, %mul3A_239 : i32
      %add3A_241 = arith.constant 96 : i32
      %add3A_242 = arith.addi %mul3A_240, %add3A_241 : i32
      %get3A_243 = arith.index_cast %add3A_242 : i32 to index
      %get3A_244 = tpu.vector_load %arg8[%get3A_243] {strides = array<i32>} : memref<6272xi32, #tpu.memory_space<vmem>>, vector<16xi32>,
      %get3A_245 = vector.shape_cast %get3A_244 : vector<16xi32> to vector<16xi32>
      %mul3A_246 = arith.constant 512 : i32
      %mul3A_247 = vector.broadcast %mul3A_246 : i32 to vector<16xi32>
      %mul3A_248 = arith.muli %get3A_245, %mul3A_247 : vector<16xi32>
      %add3A_249 = arith.addi %mul3A_248, %get3A_238 : vector<16xi32>
      %add3A_250 = arith.constant 524288 : i32
      %add3A_251 = vector.broadcast %add3A_250 : i32 to vector<16xi32>
      %add3A_252 = arith.addi %add3A_249, %add3A_251 : vector<16xi32>
      %mul3A_253 = arith.constant 128 : i32
      %mul3A_254 = arith.muli %scan3A_58, %mul3A_253 : i32
      %add3A_255 = arith.constant 96 : i32
      %add3A_256 = arith.addi %mul3A_254, %add3A_255 : i32
      %swap3A_257 = arith.index_cast %add3A_256 : i32 to index
      %swap3A_258 = tpu.vector_load %arg9[%swap3A_257] {strides = array<i32>} : memref<6272xi32, #tpu.memory_space<vmem>>, vector<16xi32>,
      %swap3A_259 = vector.shape_cast %swap3A_258 : vector<16xi32> to vector<16xi32>
      %swap3A_260 = vector.shape_cast %add3A_252 : vector<16xi32> to vector<16xi32>
      tpu.vector_store %arg9[%swap3A_257], %swap3A_260 {strides = array<i32>} : memref<6272xi32, #tpu.memory_space<vmem>>, vector<16xi32>,
      %mul3A_261 = arith.constant 128 : i32
      %mul3A_262 = arith.muli %scan3A_58, %mul3A_261 : i32
      %add3A_263 = arith.constant 112 : i32
      %add3A_264 = arith.addi %mul3A_262, %add3A_263 : i32
      %get3A_265 = arith.index_cast %add3A_264 : i32 to index
      %get3A_266 = tpu.vector_load %arg7[%get3A_265] {strides = array<i32>} : memref<6272xi32, #tpu.memory_space<vmem>>, vector<16xi32>,
      %get3A_267 = vector.shape_cast %get3A_266 : vector<16xi32> to vector<16xi32>
      %mul3A_268 = arith.constant 128 : i32
      %mul3A_269 = arith.muli %scan3A_58, %mul3A_268 : i32
      %add3A_270 = arith.constant 112 : i32
      %add3A_271 = arith.addi %mul3A_269, %add3A_270 : i32
      %get3A_272 = arith.index_cast %add3A_271 : i32 to index
      %get3A_273 = tpu.vector_load %arg8[%get3A_272] {strides = array<i32>} : memref<6272xi32, #tpu.memory_space<vmem>>, vector<16xi32>,
      %get3A_274 = vector.shape_cast %get3A_273 : vector<16xi32> to vector<16xi32>
      %mul3A_275 = arith.constant 512 : i32
      %mul3A_276 = vector.broadcast %mul3A_275 : i32 to vector<16xi32>
      %mul3A_277 = arith.muli %get3A_274, %mul3A_276 : vector<16xi32>
      %add3A_278 = arith.addi %mul3A_277, %get3A_267 : vector<16xi32>
      %add3A_279 = arith.constant 524288 : i32
      %add3A_280 = vector.broadcast %add3A_279 : i32 to vector<16xi32>
      %add3A_281 = arith.addi %add3A_278, %add3A_280 : vector<16xi32>
      %mul3A_282 = arith.constant 128 : i32
      %mul3A_283 = arith.muli %scan3A_58, %mul3A_282 : i32
      %add3A_284 = arith.constant 112 : i32
      %add3A_285 = arith.addi %mul3A_283, %add3A_284 : i32
      %swap3A_286 = arith.index_cast %add3A_285 : i32 to index
      %swap3A_287 = tpu.vector_load %arg9[%swap3A_286] {strides = array<i32>} : memref<6272xi32, #tpu.memory_space<vmem>>, vector<16xi32>,
      %swap3A_288 = vector.shape_cast %swap3A_287 : vector<16xi32> to vector<16xi32>
      %swap3A_289 = vector.shape_cast %add3A_281 : vector<16xi32> to vector<16xi32>
      tpu.vector_store %arg9[%swap3A_286], %swap3A_289 {strides = array<i32>} : memref<6272xi32, #tpu.memory_space<vmem>>, vector<16xi32>,
      %scan3A_290 = arith.constant 0 : i32
      scf.yield %scan3A_290 : i32
    }
    %scan3A_48 = arith.constant 49 : i32
    "tpu.region"() ({
      %run_scoped3A = tpu.sem_alloc : memref<!tpu.dma_semaphore, #tpu.memory_space<semaphore_mem>>
      %dma_start3A = arith.constant 0 : i32
      %dma_start3A_58 = tpu.memref_slice %arg12[%dma_start3A] : memref<786560xf32, #tpu.memory_space<vmem_shared>> -> memref<786560xf32, #tpu.memory_space<vmem_shared>>
      tpu.enqueue_indirect_dma source(%arg10 : memref<6272xf32, #tpu.memory_space<vmem>>) target(%dma_start3A_58 : memref<786560xf32, #tpu.memory_space<vmem_shared>>) offsets(%arg9 : memref<6272xi32, #tpu.memory_space<vmem>>) semaphore(%run_scoped3A : memref<!tpu.dma_semaphore, #tpu.memory_space<semaphore_mem>>) {add = true}
      %dma_wait3A = arith.constant 0 : i32
      %dma_wait3A_59 = tpu.memref_slice %arg12[%dma_wait3A] : memref<786560xf32, #tpu.memory_space<vmem_shared>> -> memref<786560xf32, #tpu.memory_space<vmem_shared>>
      tpu.wait_indirect_dma semaphore(%run_scoped3A : memref<!tpu.dma_semaphore, #tpu.memory_space<semaphore_mem>>) src(%arg10 : memref<6272xf32, #tpu.memory_space<vmem>>) dst(%dma_wait3A_59 : memref<786560xf32, #tpu.memory_space<vmem_shared>>)
      tpu.yield
    }) : () -> ()
    %barrier3A_49 = arith.constant 0 : index
    tpu.barrier barrier_id(%barrier3A_49)
    %mul3A_50 = arith.constant 49152 : i32
    %mul3A_51 = arith.muli %arg1, %mul3A_50 : i32
    "tpu.region"() ({
      %run_scoped3A = tpu.sem_alloc : memref<!tpu.dma_semaphore, #tpu.memory_space<semaphore_mem>>
      %dma_start3A = tpu.memref_slice %arg12[%mul3A_51] : memref<786560xf32, #tpu.memory_space<vmem_shared>> -> memref<49152xf32, #tpu.memory_space<vmem_shared>>
      %dma_start3A_58 = tpu.memref_slice %arg12[%mul3A_51] : memref<786560xf32, #tpu.memory_space<vmem_shared>> -> memref<49152xf32, #tpu.memory_space<vmem_shared>>
      tpu.enqueue_dma source(%dma_start3A_58 : memref<49152xf32, #tpu.memory_space<vmem_shared>>) target(%arg11 : memref<49152xf32, #tpu.memory_space<vmem>>) target_semaphore(%run_scoped3A : memref<!tpu.dma_semaphore, #tpu.memory_space<semaphore_mem>>)
      %dma_wait3A = tpu.memref_slice %arg12[%mul3A_51] : memref<786560xf32, #tpu.memory_space<vmem_shared>> -> memref<49152xf32, #tpu.memory_space<vmem_shared>>
      %dma_wait3A_59 = tpu.memref_slice %arg12[%mul3A_51] : memref<786560xf32, #tpu.memory_space<vmem_shared>> -> memref<49152xf32, #tpu.memory_space<vmem_shared>>
      tpu.wait_dma2 semaphore(%run_scoped3A : memref<!tpu.dma_semaphore, #tpu.memory_space<semaphore_mem>>) src(%dma_wait3A_59 : memref<49152xf32, #tpu.memory_space<vmem_shared>>) dst(%arg11 : memref<49152xf32, #tpu.memory_space<vmem>>)
      tpu.yield
    }) : () -> ()
    %mul3A_52 = arith.constant 786432 : i32
    %mul3A_53 = arith.muli %arg0, %mul3A_52 : i32
    %mul3A_54 = arith.constant 49152 : i32
    %mul3A_55 = arith.muli %arg1, %mul3A_54 : i32
    %add3A_56 = arith.addi %mul3A_53, %mul3A_55 : i32
    %multiple_of3A_57 = tpu.assume_multiple %add3A_56, 128 : i32
    "tpu.region"() ({
      %run_scoped3A = tpu.sem_alloc : memref<!tpu.dma_semaphore, #tpu.memory_space<semaphore_mem>>
      %dma_start3A = tpu.memref_slice %arg6[%multiple_of3A_57] : memref<1572864xf32, #tpu.memory_space<hbm>> -> memref<49152xf32, #tpu.memory_space<hbm>>
      %dma_start3A_58 = tpu.memref_slice %arg6[%multiple_of3A_57] : memref<1572864xf32, #tpu.memory_space<hbm>> -> memref<49152xf32, #tpu.memory_space<hbm>>
      tpu.enqueue_dma source(%arg11 : memref<49152xf32, #tpu.memory_space<vmem>>) target(%dma_start3A_58 : memref<49152xf32, #tpu.memory_space<hbm>>) target_semaphore(%run_scoped3A : memref<!tpu.dma_semaphore, #tpu.memory_space<semaphore_mem>>)
      %dma_wait3A = tpu.memref_slice %arg6[%multiple_of3A_57] : memref<1572864xf32, #tpu.memory_space<hbm>> -> memref<49152xf32, #tpu.memory_space<hbm>>
      %dma_wait3A_59 = tpu.memref_slice %arg6[%multiple_of3A_57] : memref<1572864xf32, #tpu.memory_space<hbm>> -> memref<49152xf32, #tpu.memory_space<hbm>>
      tpu.wait_dma2 semaphore(%run_scoped3A : memref<!tpu.dma_semaphore, #tpu.memory_space<semaphore_mem>>) src(%arg11 : memref<49152xf32, #tpu.memory_space<vmem>>) dst(%dma_wait3A_59 : memref<49152xf32, #tpu.memory_space<hbm>>)
      tpu.yield
    }) : () -> ()
    return
  }
}

module attributes {stable_mosaic.version = 14 : i64} {
  func.func @_lstm_body(%arg0: memref<1024x768xf32, #tpu.memory_space<vmem>>, %arg1: memref<768x512xf32, #tpu.memory_space<vmem>>, %arg2: memref<768x512xf32, #tpu.memory_space<vmem>>, %arg3: memref<128x512xf32, #tpu.memory_space<vmem>>, %arg4: memref<1x512xf32, #tpu.memory_space<vmem>>, %arg5: memref<1x512xf32, #tpu.memory_space<vmem>>, %arg6: memref<1024x128xf32, #tpu.memory_space<vmem>>, %arg7: memref<1024x512xf32, #tpu.memory_space<vmem>>, %arg8: memref<1024x512xf32, #tpu.memory_space<vmem>>, %arg9: memref<128x8x128xf32, #tpu.memory_space<vmem>>) attributes {dimension_semantics = [], scalar_prefetch = 0 : i64, scratch_operands = 3 : i64, tpu.core_type = #tpu.core_type<tc>} {
    %get3A = arith.constant 0 : index
    %get3A_0 = arith.constant 0 : index
    %get3A_1 = vector.load %arg0[%get3A, %get3A_0] : memref<1024x768xf32, #tpu.memory_space<vmem>>, vector<1024x768xf32>
    %get3A_2 = arith.constant 0 : index
    %get3A_3 = arith.constant 0 : index
    %get3A_4 = vector.load %arg1[%get3A_2, %get3A_3] : memref<768x512xf32, #tpu.memory_space<vmem>>, vector<768x512xf32>
    %dot_general3A = arith.constant dense<0.000000e+00> : vector<1024x512xf32>
    %dot_general3A_5 = tpu.matmul %get3A_1, %get3A_4, %dot_general3A {dimension_numbers = #tpu.dot_dimension_numbers<[1], [0], [0], [1], [0, 0, 1, 1], [], []>, transpose_lhs_hint = false} : vector<1024x768xf32>, vector<768x512xf32>, vector<1024x512xf32> -> vector<1024x512xf32>
    %get3A_6 = arith.constant 0 : index
    %get3A_7 = arith.constant 0 : index
    %get3A_8 = vector.load %arg4[%get3A_6, %get3A_7] : memref<1x512xf32, #tpu.memory_space<vmem>>, vector<1x512xf32>
    %add3A = vector.broadcast %get3A_8 : vector<1x512xf32> to vector<1024x512xf32>
    %add3A_9 = arith.addf %dot_general3A_5, %add3A : vector<1024x512xf32>
    %swap3A = arith.constant 0 : index
    %swap3A_10 = arith.constant 0 : index
    %swap3A_11 = vector.load %arg7[%swap3A, %swap3A_10] : memref<1024x512xf32, #tpu.memory_space<vmem>>, vector<1024x512xf32>
    tpu.vector_store %arg7[%swap3A, %swap3A_10], %add3A_9 {strides = array<i32>} : memref<1024x512xf32, #tpu.memory_space<vmem>>, vector<1024x512xf32>,
    %get3A_12 = arith.constant 0 : index
    %get3A_13 = arith.constant 0 : index
    %get3A_14 = vector.load %arg2[%get3A_12, %get3A_13] : memref<768x512xf32, #tpu.memory_space<vmem>>, vector<768x512xf32>
    %dot_general3A_15 = arith.constant dense<0.000000e+00> : vector<1024x512xf32>
    %dot_general3A_16 = tpu.matmul %get3A_1, %get3A_14, %dot_general3A_15 {dimension_numbers = #tpu.dot_dimension_numbers<[1], [0], [0], [1], [0, 0, 1, 1], [], []>, transpose_lhs_hint = false} : vector<1024x768xf32>, vector<768x512xf32>, vector<1024x512xf32> -> vector<1024x512xf32>
    %get3A_17 = arith.constant 0 : index
    %get3A_18 = arith.constant 0 : index
    %get3A_19 = vector.load %arg5[%get3A_17, %get3A_18] : memref<1x512xf32, #tpu.memory_space<vmem>>, vector<1x512xf32>
    %add3A_20 = vector.broadcast %get3A_19 : vector<1x512xf32> to vector<1024x512xf32>
    %add3A_21 = arith.addf %dot_general3A_16, %add3A_20 : vector<1024x512xf32>
    %swap3A_22 = arith.constant 0 : index
    %swap3A_23 = arith.constant 0 : index
    %swap3A_24 = vector.load %arg8[%swap3A_22, %swap3A_23] : memref<1024x512xf32, #tpu.memory_space<vmem>>, vector<1024x512xf32>
    tpu.vector_store %arg8[%swap3A_22, %swap3A_23], %add3A_21 {strides = array<i32>} : memref<1024x512xf32, #tpu.memory_space<vmem>>, vector<1024x512xf32>,
    %broadcast_in_dim3A = arith.constant 0.000000e+00 : f32
    %broadcast_in_dim3A_25 = vector.broadcast %broadcast_in_dim3A : f32 to vector<8x128xf32>
    %scan3A = arith.constant 0 : i32
    %scan3A_26 = arith.constant 128 : i32
    %scan3A_27 = arith.addi %scan3A, %scan3A_26 : i32
    %scan3A_28 = arith.constant 1 : i32
    %scan3A_29:2 = scf.for %scan3A_73 = %scan3A to %scan3A_27 step %scan3A_28 iter_args(%scan3A_74 = %broadcast_in_dim3A_25, %scan3A_75 = %broadcast_in_dim3A_25) -> (vector<8x128xf32>, vector<8x128xf32>)  : i32 {
      %mul3A = arith.constant 8 : i32
      %mul3A_76 = arith.muli %scan3A_73, %mul3A : i32
      %get3A_77 = arith.index_cast %mul3A_76 : i32 to index
      %get3A_78 = arith.constant 0 : index
      %get3A_79 = vector.load %arg7[%get3A_77, %get3A_78] : memref<1024x512xf32, #tpu.memory_space<vmem>>, vector<8x512xf32>
      %sub3A = arith.constant 127 : i32
      %sub3A_80 = arith.subi %sub3A, %scan3A_73 : i32
      %mul3A_81 = arith.constant 8 : i32
      %mul3A_82 = arith.muli %sub3A_80, %mul3A_81 : i32
      %get3A_83 = arith.index_cast %mul3A_82 : i32 to index
      %get3A_84 = arith.constant 0 : index
      %get3A_85 = vector.load %arg8[%get3A_83, %get3A_84] : memref<1024x512xf32, #tpu.memory_space<vmem>>, vector<8x512xf32>
      %get3A_86 = arith.constant 0 : index
      %get3A_87 = arith.constant 0 : index
      %get3A_88 = vector.load %arg3[%get3A_86, %get3A_87] : memref<128x512xf32, #tpu.memory_space<vmem>>, vector<128x512xf32>
      %dot_general3A_89 = arith.constant dense<0.000000e+00> : vector<8x512xf32>
      %dot_general3A_90 = tpu.matmul %scan3A_74, %get3A_88, %dot_general3A_89 {dimension_numbers = #tpu.dot_dimension_numbers<[1], [0], [0], [1], [0, 0, 1, 1], [], []>, transpose_lhs_hint = false} : vector<8x128xf32>, vector<128x512xf32>, vector<8x512xf32> -> vector<8x512xf32>
      %add3A_91 = arith.addf %dot_general3A_90, %get3A_79 : vector<8x512xf32>
      %add3A_92 = arith.addf %add3A_91, %get3A_85 : vector<8x512xf32>
      %slice3A_93 = vector.extract_strided_slice %add3A_92 {offsets = [0, 0], sizes = [8, 128], strides = [1, 1]} : vector<8x512xf32> to vector<8x128xf32>
      %logistic3A = arith.negf %slice3A_93 : vector<8x128xf32>
      %logistic3A_94 = math.exp %logistic3A : vector<8x128xf32>
      %logistic3A_95 = arith.constant 1.000000e+00 : f32
      %logistic3A_96 = vector.broadcast %logistic3A_95 : f32 to vector<8x128xf32>
      %logistic3A_97 = arith.addf %logistic3A_96, %logistic3A_94 : vector<8x128xf32>
      %logistic3A_98 = arith.divf %logistic3A_96, %logistic3A_97 : vector<8x128xf32>
      %slice3A_99 = vector.extract_strided_slice %add3A_92 {offsets = [0, 128], sizes = [8, 128], strides = [1, 1]} : vector<8x512xf32> to vector<8x128xf32>
      %logistic3A_100 = arith.negf %slice3A_99 : vector<8x128xf32>
      %logistic3A_101 = math.exp %logistic3A_100 : vector<8x128xf32>
      %logistic3A_102 = arith.constant 1.000000e+00 : f32
      %logistic3A_103 = vector.broadcast %logistic3A_102 : f32 to vector<8x128xf32>
      %logistic3A_104 = arith.addf %logistic3A_103, %logistic3A_101 : vector<8x128xf32>
      %logistic3A_105 = arith.divf %logistic3A_103, %logistic3A_104 : vector<8x128xf32>
      %slice3A_106 = vector.extract_strided_slice %add3A_92 {offsets = [0, 256], sizes = [8, 128], strides = [1, 1]} : vector<8x512xf32> to vector<8x128xf32>
      %tanh3A = math.tanh %slice3A_106 : vector<8x128xf32>
      %slice3A_107 = vector.extract_strided_slice %add3A_92 {offsets = [0, 384], sizes = [8, 128], strides = [1, 1]} : vector<8x512xf32> to vector<8x128xf32>
      %logistic3A_108 = arith.negf %slice3A_107 : vector<8x128xf32>
      %logistic3A_109 = math.exp %logistic3A_108 : vector<8x128xf32>
      %logistic3A_110 = arith.constant 1.000000e+00 : f32
      %logistic3A_111 = vector.broadcast %logistic3A_110 : f32 to vector<8x128xf32>
      %logistic3A_112 = arith.addf %logistic3A_111, %logistic3A_109 : vector<8x128xf32>
      %logistic3A_113 = arith.divf %logistic3A_111, %logistic3A_112 : vector<8x128xf32>
      %mul3A_114 = arith.mulf %logistic3A_105, %scan3A_75 : vector<8x128xf32>
      %mul3A_115 = arith.mulf %logistic3A_98, %tanh3A : vector<8x128xf32>
      %add3A_116 = arith.addf %mul3A_114, %mul3A_115 : vector<8x128xf32>
      %tanh3A_117 = math.tanh %add3A_116 : vector<8x128xf32>
      %mul3A_118 = arith.mulf %logistic3A_113, %tanh3A_117 : vector<8x128xf32>
      %slice3A_119 = vector.extract_strided_slice %mul3A_118 {offsets = [0, 0], sizes = [8, 64], strides = [1, 1]} : vector<8x128xf32> to vector<8x64xf32>
      %swap3A_120 = arith.index_cast %scan3A_73 : i32 to index
      %swap3A_121 = arith.constant 0 : index
      %swap3A_122 = arith.constant 0 : index
      %swap3A_123 = vector.load %arg9[%swap3A_120, %swap3A_121, %swap3A_122] : memref<128x8x128xf32, #tpu.memory_space<vmem>>, vector<1x8x64xf32>
      %swap3A_124 = vector.shape_cast %swap3A_123 : vector<1x8x64xf32> to vector<8x64xf32>
      %swap3A_125 = vector.shape_cast %slice3A_119 : vector<8x64xf32> to vector<1x8x64xf32>
      tpu.vector_store %arg9[%swap3A_120, %swap3A_121, %swap3A_122], %swap3A_125 {strides = array<i32>} : memref<128x8x128xf32, #tpu.memory_space<vmem>>, vector<1x8x64xf32>,
      %slice3A_126 = vector.extract_strided_slice %mul3A_118 {offsets = [0, 64], sizes = [8, 64], strides = [1, 1]} : vector<8x128xf32> to vector<8x64xf32>
      %sub3A_127 = arith.constant 127 : i32
      %sub3A_128 = arith.subi %sub3A_127, %scan3A_73 : i32
      %swap3A_129 = arith.index_cast %sub3A_128 : i32 to index
      %swap3A_130 = arith.constant 0 : index
      %swap3A_131 = arith.constant 64 : index
      %swap3A_132 = vector.load %arg9[%swap3A_129, %swap3A_130, %swap3A_131] : memref<128x8x128xf32, #tpu.memory_space<vmem>>, vector<1x8x64xf32>
      %swap3A_133 = vector.shape_cast %swap3A_132 : vector<1x8x64xf32> to vector<8x64xf32>
      %swap3A_134 = vector.shape_cast %slice3A_126 : vector<8x64xf32> to vector<1x8x64xf32>
      tpu.vector_store %arg9[%swap3A_129, %swap3A_130, %swap3A_131], %swap3A_134 {strides = array<i32>} : memref<128x8x128xf32, #tpu.memory_space<vmem>>, vector<1x8x64xf32>,
      scf.yield %mul3A_118, %add3A_116 : vector<8x128xf32>, vector<8x128xf32>
    }
    %scan3A_30 = arith.constant 128 : i32
    %get3A_31 = arith.constant 0 : index
    %get3A_32 = arith.constant 0 : index
    %get3A_33 = arith.constant 0 : index
    %get3A_34 = vector.load %arg9[%get3A_31, %get3A_32, %get3A_33] : memref<128x8x128xf32, #tpu.memory_space<vmem>>, vector<128x8x128xf32>
    %slice3A = vector.extract_strided_slice %get3A_34 {offsets = [0, 0, 0], sizes = [128, 1, 128], strides = [1, 1, 1]} : vector<128x8x128xf32> to vector<128x1x128xf32>
    %squeeze3A = vector.shape_cast %slice3A : vector<128x1x128xf32> to vector<128x128xf32>
    %swap3A_35 = arith.constant 0 : index
    %swap3A_36 = arith.constant 0 : index
    %swap3A_37 = vector.load %arg6[%swap3A_35, %swap3A_36] : memref<1024x128xf32, #tpu.memory_space<vmem>>, vector<128x128xf32>
    tpu.vector_store %arg6[%swap3A_35, %swap3A_36], %squeeze3A {strides = array<i32>} : memref<1024x128xf32, #tpu.memory_space<vmem>>, vector<128x128xf32>,
    %slice3A_38 = vector.extract_strided_slice %get3A_34 {offsets = [0, 1, 0], sizes = [128, 1, 128], strides = [1, 1, 1]} : vector<128x8x128xf32> to vector<128x1x128xf32>
    %squeeze3A_39 = vector.shape_cast %slice3A_38 : vector<128x1x128xf32> to vector<128x128xf32>
    %swap3A_40 = arith.constant 128 : index
    %swap3A_41 = arith.constant 0 : index
    %swap3A_42 = vector.load %arg6[%swap3A_40, %swap3A_41] : memref<1024x128xf32, #tpu.memory_space<vmem>>, vector<128x128xf32>
    tpu.vector_store %arg6[%swap3A_40, %swap3A_41], %squeeze3A_39 {strides = array<i32>} : memref<1024x128xf32, #tpu.memory_space<vmem>>, vector<128x128xf32>,
    %slice3A_43 = vector.extract_strided_slice %get3A_34 {offsets = [0, 2, 0], sizes = [128, 1, 128], strides = [1, 1, 1]} : vector<128x8x128xf32> to vector<128x1x128xf32>
    %squeeze3A_44 = vector.shape_cast %slice3A_43 : vector<128x1x128xf32> to vector<128x128xf32>
    %swap3A_45 = arith.constant 256 : index
    %swap3A_46 = arith.constant 0 : index
    %swap3A_47 = vector.load %arg6[%swap3A_45, %swap3A_46] : memref<1024x128xf32, #tpu.memory_space<vmem>>, vector<128x128xf32>
    tpu.vector_store %arg6[%swap3A_45, %swap3A_46], %squeeze3A_44 {strides = array<i32>} : memref<1024x128xf32, #tpu.memory_space<vmem>>, vector<128x128xf32>,
    %slice3A_48 = vector.extract_strided_slice %get3A_34 {offsets = [0, 3, 0], sizes = [128, 1, 128], strides = [1, 1, 1]} : vector<128x8x128xf32> to vector<128x1x128xf32>
    %squeeze3A_49 = vector.shape_cast %slice3A_48 : vector<128x1x128xf32> to vector<128x128xf32>
    %swap3A_50 = arith.constant 384 : index
    %swap3A_51 = arith.constant 0 : index
    %swap3A_52 = vector.load %arg6[%swap3A_50, %swap3A_51] : memref<1024x128xf32, #tpu.memory_space<vmem>>, vector<128x128xf32>
    tpu.vector_store %arg6[%swap3A_50, %swap3A_51], %squeeze3A_49 {strides = array<i32>} : memref<1024x128xf32, #tpu.memory_space<vmem>>, vector<128x128xf32>,
    %slice3A_53 = vector.extract_strided_slice %get3A_34 {offsets = [0, 4, 0], sizes = [128, 1, 128], strides = [1, 1, 1]} : vector<128x8x128xf32> to vector<128x1x128xf32>
    %squeeze3A_54 = vector.shape_cast %slice3A_53 : vector<128x1x128xf32> to vector<128x128xf32>
    %swap3A_55 = arith.constant 512 : index
    %swap3A_56 = arith.constant 0 : index
    %swap3A_57 = vector.load %arg6[%swap3A_55, %swap3A_56] : memref<1024x128xf32, #tpu.memory_space<vmem>>, vector<128x128xf32>
    tpu.vector_store %arg6[%swap3A_55, %swap3A_56], %squeeze3A_54 {strides = array<i32>} : memref<1024x128xf32, #tpu.memory_space<vmem>>, vector<128x128xf32>,
    %slice3A_58 = vector.extract_strided_slice %get3A_34 {offsets = [0, 5, 0], sizes = [128, 1, 128], strides = [1, 1, 1]} : vector<128x8x128xf32> to vector<128x1x128xf32>
    %squeeze3A_59 = vector.shape_cast %slice3A_58 : vector<128x1x128xf32> to vector<128x128xf32>
    %swap3A_60 = arith.constant 640 : index
    %swap3A_61 = arith.constant 0 : index
    %swap3A_62 = vector.load %arg6[%swap3A_60, %swap3A_61] : memref<1024x128xf32, #tpu.memory_space<vmem>>, vector<128x128xf32>
    tpu.vector_store %arg6[%swap3A_60, %swap3A_61], %squeeze3A_59 {strides = array<i32>} : memref<1024x128xf32, #tpu.memory_space<vmem>>, vector<128x128xf32>,
    %slice3A_63 = vector.extract_strided_slice %get3A_34 {offsets = [0, 6, 0], sizes = [128, 1, 128], strides = [1, 1, 1]} : vector<128x8x128xf32> to vector<128x1x128xf32>
    %squeeze3A_64 = vector.shape_cast %slice3A_63 : vector<128x1x128xf32> to vector<128x128xf32>
    %swap3A_65 = arith.constant 768 : index
    %swap3A_66 = arith.constant 0 : index
    %swap3A_67 = vector.load %arg6[%swap3A_65, %swap3A_66] : memref<1024x128xf32, #tpu.memory_space<vmem>>, vector<128x128xf32>
    tpu.vector_store %arg6[%swap3A_65, %swap3A_66], %squeeze3A_64 {strides = array<i32>} : memref<1024x128xf32, #tpu.memory_space<vmem>>, vector<128x128xf32>,
    %slice3A_68 = vector.extract_strided_slice %get3A_34 {offsets = [0, 7, 0], sizes = [128, 1, 128], strides = [1, 1, 1]} : vector<128x8x128xf32> to vector<128x1x128xf32>
    %squeeze3A_69 = vector.shape_cast %slice3A_68 : vector<128x1x128xf32> to vector<128x128xf32>
    %swap3A_70 = arith.constant 896 : index
    %swap3A_71 = arith.constant 0 : index
    %swap3A_72 = vector.load %arg6[%swap3A_70, %swap3A_71] : memref<1024x128xf32, #tpu.memory_space<vmem>>, vector<128x128xf32>
    tpu.vector_store %arg6[%swap3A_70, %swap3A_71], %squeeze3A_69 {strides = array<i32>} : memref<1024x128xf32, #tpu.memory_space<vmem>>, vector<128x128xf32>,
    return
  }
}

module attributes {stable_mosaic.version = 14 : i64} {
  func.func @_fuse_body(%arg0: i32, %arg1: memref<1024x128xf32, #tpu.memory_space<vmem>>, %arg2: memref<3072x512xf32, #tpu.memory_space<vmem>>, %arg3: memref<768x128xf32, #tpu.memory_space<vmem>>, %arg4: memref<128x128xf32, #tpu.memory_space<vmem>>, %arg5: memref<1x128xf32, #tpu.memory_space<vmem>>, %arg6: memref<1x128xf32, #tpu.memory_space<vmem>>, %arg7: memref<1x128xf32, #tpu.memory_space<vmem>>, %arg8: memref<512x128xf32, #tpu.memory_space<vmem>>, %arg9: memref<512x128xf32, #tpu.memory_space<vmem>>, %arg10: memref<128x128xf32, #tpu.memory_space<vmem>>, %arg11: memref<128x128xf32, #tpu.memory_space<vmem>>, %arg12: memref<128x128xf32, #tpu.memory_space<vmem>>, %arg13: memref<1x128xf32, #tpu.memory_space<vmem>>, %arg14: memref<512x128xf32, #tpu.memory_space<vmem>>, %arg15: memref<512x128xf32, #tpu.memory_space<vmem>>, %arg16: memref<1x128x128x128xf32, #tpu.memory_space<vmem>>, %arg17: memref<512x128xf32, #tpu.memory_space<vmem>>, %arg18: memref<512x128xf32, #tpu.memory_space<vmem>>) attributes {dimension_semantics = [#tpu.dimension_semantics<arbitrary>], iteration_bounds = array<i64: 4>, scalar_prefetch = 0 : i64, scratch_operands = 2 : i64, tpu.core_type = #tpu.core_type<tc>, window_params = [{pipeline_mode = #tpu.pipeline_mode<synchronous>, transform_indices = @transform_0, window_bounds = array<i64: 1024, 128>}, {pipeline_mode = #tpu.pipeline_mode<synchronous>, transform_indices = @transform_1, window_bounds = array<i64: 3072, 512>}, {pipeline_mode = #tpu.pipeline_mode<synchronous>, transform_indices = @transform_2, window_bounds = array<i64: 768, 128>}, {pipeline_mode = #tpu.pipeline_mode<synchronous>, transform_indices = @transform_3, window_bounds = array<i64: 128, 128>}, {pipeline_mode = #tpu.pipeline_mode<synchronous>, transform_indices = @transform_4, window_bounds = array<i64: 1, 128>}, {pipeline_mode = #tpu.pipeline_mode<synchronous>, transform_indices = @transform_5, window_bounds = array<i64: 1, 128>}, {pipeline_mode = #tpu.pipeline_mode<synchronous>, transform_indices = @transform_6, window_bounds = array<i64: 1, 128>}, {pipeline_mode = #tpu.pipeline_mode<synchronous>, transform_indices = @transform_7, window_bounds = array<i64: 512, 128>}, {pipeline_mode = #tpu.pipeline_mode<synchronous>, transform_indices = @transform_8, window_bounds = array<i64: 512, 128>}, {pipeline_mode = #tpu.pipeline_mode<synchronous>, transform_indices = @transform_9, window_bounds = array<i64: 128, 128>}, {pipeline_mode = #tpu.pipeline_mode<synchronous>, transform_indices = @transform_10, window_bounds = array<i64: 128, 128>}, {pipeline_mode = #tpu.pipeline_mode<synchronous>, transform_indices = @transform_11, window_bounds = array<i64: 128, 128>}, {pipeline_mode = #tpu.pipeline_mode<synchronous>, transform_indices = @transform_12, window_bounds = array<i64: 1, 128>}, {pipeline_mode = #tpu.pipeline_mode<synchronous>, transform_indices = @transform_13, window_bounds = array<i64: 512, 128>}, {pipeline_mode = #tpu.pipeline_mode<synchronous>, transform_indices = @transform_14, window_bounds = array<i64: 512, 128>}, {transform_indices = @transform_15, window_bounds = array<i64: 1, 128, 128, 128>}]} {
    %eq3A = arith.constant 0 : i32
    %eq3A_0 = arith.cmpi eq, %arg0, %eq3A : i32
    %convert_element_type3A = arith.extui %eq3A_0 : i1 to i32
    %cond3A = arith.constant 0 : i32
    %cond3A_1 = arith.cmpi ne, %convert_element_type3A, %cond3A : i32
    scf.if %cond3A_1 {
      %get3A_19 = arith.constant 0 : index
      %get3A_20 = arith.constant 0 : index
      %get3A_21 = vector.load %arg1[%get3A_19, %get3A_20] : memref<1024x128xf32, #tpu.memory_space<vmem>>, vector<512x128xf32>
      %get3A_22 = arith.constant 512 : index
      %get3A_23 = arith.constant 0 : index
      %get3A_24 = vector.load %arg1[%get3A_22, %get3A_23] : memref<1024x128xf32, #tpu.memory_space<vmem>>, vector<512x128xf32>
      %get3A_25 = arith.constant 0 : index
      %get3A_26 = arith.constant 0 : index
      %get3A_27 = vector.load %arg4[%get3A_25, %get3A_26] : memref<128x128xf32, #tpu.memory_space<vmem>>, vector<128x128xf32>
      %get3A_28 = arith.constant 0 : index
      %get3A_29 = arith.constant 0 : index
      %get3A_30 = vector.load %arg2[%get3A_28, %get3A_29] : memref<3072x512xf32, #tpu.memory_space<vmem>>, vector<512x512xf32>
      %dot_general3A = arith.constant dense<0.000000e+00> : vector<512x128xf32>
      %dot_general3A_31 = tpu.matmul %get3A_30, %get3A_21, %dot_general3A {dimension_numbers = #tpu.dot_dimension_numbers<[1], [0], [0], [1], [0, 0, 1, 1], [], []>, transpose_lhs_hint = false} : vector<512x512xf32>, vector<512x128xf32>, vector<512x128xf32> -> vector<512x128xf32>
      %reduce_sum3A = arith.constant dense<0.000000e+00> : vector<512xf32>
      %reduce_sum3A_32 = vector.multi_reduction <add>, %get3A_30, %reduce_sum3A [1] : vector<512x512xf32> to vector<512xf32>
      %broadcast_in_dim3A_33 = vector.shape_cast %reduce_sum3A_32 : vector<512xf32> to vector<512x1xf32>
      %max3A_34 = arith.constant 1.000000e+00 : f32
      %max3A_35 = vector.broadcast %max3A_34 : f32 to vector<512x1xf32>
      %max3A_36 = arith.maximumf %broadcast_in_dim3A_33, %max3A_35 : vector<512x1xf32>
      %get3A_37 = arith.constant 0 : index
      %get3A_38 = arith.constant 0 : index
      %get3A_39 = vector.load %arg3[%get3A_37, %get3A_38] : memref<768x128xf32, #tpu.memory_space<vmem>>, vector<128x128xf32>
      %div3A = vector.broadcast %max3A_36 : vector<512x1xf32> to vector<512x128xf32>
      %div3A_40 = arith.divf %dot_general3A_31, %div3A : vector<512x128xf32>
      %dot_general3A_41 = arith.constant dense<0.000000e+00> : vector<512x128xf32>
      %dot_general3A_42 = tpu.matmul %div3A_40, %get3A_39, %dot_general3A_41 {dimension_numbers = #tpu.dot_dimension_numbers<[1], [0], [0], [1], [0, 0, 1, 1], [], []>, transpose_lhs_hint = false} : vector<512x128xf32>, vector<128x128xf32>, vector<512x128xf32> -> vector<512x128xf32>
      %get3A_43 = arith.constant 1536 : index
      %get3A_44 = arith.constant 0 : index
      %get3A_45 = vector.load %arg2[%get3A_43, %get3A_44] : memref<3072x512xf32, #tpu.memory_space<vmem>>, vector<512x512xf32>
      %dot_general3A_46 = arith.constant dense<0.000000e+00> : vector<512x128xf32>
      %dot_general3A_47 = tpu.matmul %get3A_45, %get3A_24, %dot_general3A_46 {dimension_numbers = #tpu.dot_dimension_numbers<[1], [0], [0], [1], [0, 0, 1, 1], [], []>, transpose_lhs_hint = false} : vector<512x512xf32>, vector<512x128xf32>, vector<512x128xf32> -> vector<512x128xf32>
      %reduce_sum3A_48 = arith.constant dense<0.000000e+00> : vector<512xf32>
      %reduce_sum3A_49 = vector.multi_reduction <add>, %get3A_45, %reduce_sum3A_48 [1] : vector<512x512xf32> to vector<512xf32>
      %broadcast_in_dim3A_50 = vector.shape_cast %reduce_sum3A_49 : vector<512xf32> to vector<512x1xf32>
      %max3A_51 = arith.constant 1.000000e+00 : f32
      %max3A_52 = vector.broadcast %max3A_51 : f32 to vector<512x1xf32>
      %max3A_53 = arith.maximumf %broadcast_in_dim3A_50, %max3A_52 : vector<512x1xf32>
      %get3A_54 = arith.constant 384 : index
      %get3A_55 = arith.constant 0 : index
      %get3A_56 = vector.load %arg3[%get3A_54, %get3A_55] : memref<768x128xf32, #tpu.memory_space<vmem>>, vector<128x128xf32>
      %div3A_57 = vector.broadcast %max3A_53 : vector<512x1xf32> to vector<512x128xf32>
      %div3A_58 = arith.divf %dot_general3A_47, %div3A_57 : vector<512x128xf32>
      %dot_general3A_59 = arith.constant dense<0.000000e+00> : vector<512x128xf32>
      %dot_general3A_60 = tpu.matmul %div3A_58, %get3A_56, %dot_general3A_59 {dimension_numbers = #tpu.dot_dimension_numbers<[1], [0], [0], [1], [0, 0, 1, 1], [], []>, transpose_lhs_hint = false} : vector<512x128xf32>, vector<128x128xf32>, vector<512x128xf32> -> vector<512x128xf32>
      %add3A_61 = arith.addf %dot_general3A_42, %dot_general3A_60 : vector<512x128xf32>
      %get3A_62 = arith.constant 2560 : index
      %get3A_63 = arith.constant 0 : index
      %get3A_64 = vector.load %arg2[%get3A_62, %get3A_63] : memref<3072x512xf32, #tpu.memory_space<vmem>>, vector<512x512xf32>
      %dot_general3A_65 = arith.constant dense<0.000000e+00> : vector<512x128xf32>
      %dot_general3A_66 = tpu.matmul %get3A_64, %get3A_21, %dot_general3A_65 {dimension_numbers = #tpu.dot_dimension_numbers<[1], [0], [0], [1], [0, 0, 1, 1], [], []>, transpose_lhs_hint = false} : vector<512x512xf32>, vector<512x128xf32>, vector<512x128xf32> -> vector<512x128xf32>
      %reduce_sum3A_67 = arith.constant dense<0.000000e+00> : vector<512xf32>
      %reduce_sum3A_68 = vector.multi_reduction <add>, %get3A_64, %reduce_sum3A_67 [1] : vector<512x512xf32> to vector<512xf32>
      %broadcast_in_dim3A_69 = vector.shape_cast %reduce_sum3A_68 : vector<512xf32> to vector<512x1xf32>
      %max3A_70 = arith.constant 1.000000e+00 : f32
      %max3A_71 = vector.broadcast %max3A_70 : f32 to vector<512x1xf32>
      %max3A_72 = arith.maximumf %broadcast_in_dim3A_69, %max3A_71 : vector<512x1xf32>
      %get3A_73 = arith.constant 640 : index
      %get3A_74 = arith.constant 0 : index
      %get3A_75 = vector.load %arg3[%get3A_73, %get3A_74] : memref<768x128xf32, #tpu.memory_space<vmem>>, vector<128x128xf32>
      %div3A_76 = vector.broadcast %max3A_72 : vector<512x1xf32> to vector<512x128xf32>
      %div3A_77 = arith.divf %dot_general3A_66, %div3A_76 : vector<512x128xf32>
      %dot_general3A_78 = arith.constant dense<0.000000e+00> : vector<512x128xf32>
      %dot_general3A_79 = tpu.matmul %div3A_77, %get3A_75, %dot_general3A_78 {dimension_numbers = #tpu.dot_dimension_numbers<[1], [0], [0], [1], [0, 0, 1, 1], [], []>, transpose_lhs_hint = false} : vector<512x128xf32>, vector<128x128xf32>, vector<512x128xf32> -> vector<512x128xf32>
      %add3A_80 = arith.addf %add3A_61, %dot_general3A_79 : vector<512x128xf32>
      %dot_general3A_81 = arith.constant dense<0.000000e+00> : vector<512x128xf32>
      %dot_general3A_82 = tpu.matmul %get3A_21, %get3A_27, %dot_general3A_81 {dimension_numbers = #tpu.dot_dimension_numbers<[1], [0], [0], [1], [0, 0, 1, 1], [], []>, transpose_lhs_hint = false} : vector<512x128xf32>, vector<128x128xf32>, vector<512x128xf32> -> vector<512x128xf32>
      %add3A_83 = arith.addf %add3A_80, %dot_general3A_82 : vector<512x128xf32>
      %get3A_84 = arith.constant 0 : index
      %get3A_85 = arith.constant 0 : index
      %get3A_86 = vector.load %arg5[%get3A_84, %get3A_85] : memref<1x128xf32, #tpu.memory_space<vmem>>, vector<1x128xf32>
      %add3A_87 = vector.broadcast %get3A_86 : vector<1x128xf32> to vector<512x128xf32>
      %add3A_88 = arith.addf %add3A_83, %add3A_87 : vector<512x128xf32>
      %get3A_89 = arith.constant 512 : index
      %get3A_90 = arith.constant 0 : index
      %get3A_91 = vector.load %arg2[%get3A_89, %get3A_90] : memref<3072x512xf32, #tpu.memory_space<vmem>>, vector<512x512xf32>
      %dot_general3A_92 = arith.constant dense<0.000000e+00> : vector<512x128xf32>
      %dot_general3A_93 = tpu.matmul %get3A_91, %get3A_24, %dot_general3A_92 {dimension_numbers = #tpu.dot_dimension_numbers<[1], [0], [0], [1], [0, 0, 1, 1], [], []>, transpose_lhs_hint = false} : vector<512x512xf32>, vector<512x128xf32>, vector<512x128xf32> -> vector<512x128xf32>
      %reduce_sum3A_94 = arith.constant dense<0.000000e+00> : vector<512xf32>
      %reduce_sum3A_95 = vector.multi_reduction <add>, %get3A_91, %reduce_sum3A_94 [1] : vector<512x512xf32> to vector<512xf32>
      %broadcast_in_dim3A_96 = vector.shape_cast %reduce_sum3A_95 : vector<512xf32> to vector<512x1xf32>
      %max3A_97 = arith.constant 1.000000e+00 : f32
      %max3A_98 = vector.broadcast %max3A_97 : f32 to vector<512x1xf32>
      %max3A_99 = arith.maximumf %broadcast_in_dim3A_96, %max3A_98 : vector<512x1xf32>
      %get3A_100 = arith.constant 128 : index
      %get3A_101 = arith.constant 0 : index
      %get3A_102 = vector.load %arg3[%get3A_100, %get3A_101] : memref<768x128xf32, #tpu.memory_space<vmem>>, vector<128x128xf32>
      %div3A_103 = vector.broadcast %max3A_99 : vector<512x1xf32> to vector<512x128xf32>
      %div3A_104 = arith.divf %dot_general3A_93, %div3A_103 : vector<512x128xf32>
      %dot_general3A_105 = arith.constant dense<0.000000e+00> : vector<512x128xf32>
      %dot_general3A_106 = tpu.matmul %div3A_104, %get3A_102, %dot_general3A_105 {dimension_numbers = #tpu.dot_dimension_numbers<[1], [0], [0], [1], [0, 0, 1, 1], [], []>, transpose_lhs_hint = false} : vector<512x128xf32>, vector<128x128xf32>, vector<512x128xf32> -> vector<512x128xf32>
      %get3A_107 = arith.constant 1024 : index
      %get3A_108 = arith.constant 0 : index
      %get3A_109 = vector.load %arg2[%get3A_107, %get3A_108] : memref<3072x512xf32, #tpu.memory_space<vmem>>, vector<512x512xf32>
      %dot_general3A_110 = arith.constant dense<0.000000e+00> : vector<512x128xf32>
      %dot_general3A_111 = tpu.matmul %get3A_109, %get3A_21, %dot_general3A_110 {dimension_numbers = #tpu.dot_dimension_numbers<[1], [0], [0], [1], [0, 0, 1, 1], [], []>, transpose_lhs_hint = false} : vector<512x512xf32>, vector<512x128xf32>, vector<512x128xf32> -> vector<512x128xf32>
      %reduce_sum3A_112 = arith.constant dense<0.000000e+00> : vector<512xf32>
      %reduce_sum3A_113 = vector.multi_reduction <add>, %get3A_109, %reduce_sum3A_112 [1] : vector<512x512xf32> to vector<512xf32>
      %broadcast_in_dim3A_114 = vector.shape_cast %reduce_sum3A_113 : vector<512xf32> to vector<512x1xf32>
      %max3A_115 = arith.constant 1.000000e+00 : f32
      %max3A_116 = vector.broadcast %max3A_115 : f32 to vector<512x1xf32>
      %max3A_117 = arith.maximumf %broadcast_in_dim3A_114, %max3A_116 : vector<512x1xf32>
      %get3A_118 = arith.constant 256 : index
      %get3A_119 = arith.constant 0 : index
      %get3A_120 = vector.load %arg3[%get3A_118, %get3A_119] : memref<768x128xf32, #tpu.memory_space<vmem>>, vector<128x128xf32>
      %div3A_121 = vector.broadcast %max3A_117 : vector<512x1xf32> to vector<512x128xf32>
      %div3A_122 = arith.divf %dot_general3A_111, %div3A_121 : vector<512x128xf32>
      %dot_general3A_123 = arith.constant dense<0.000000e+00> : vector<512x128xf32>
      %dot_general3A_124 = tpu.matmul %div3A_122, %get3A_120, %dot_general3A_123 {dimension_numbers = #tpu.dot_dimension_numbers<[1], [0], [0], [1], [0, 0, 1, 1], [], []>, transpose_lhs_hint = false} : vector<512x128xf32>, vector<128x128xf32>, vector<512x128xf32> -> vector<512x128xf32>
      %add3A_125 = arith.addf %dot_general3A_106, %dot_general3A_124 : vector<512x128xf32>
      %get3A_126 = arith.constant 2048 : index
      %get3A_127 = arith.constant 0 : index
      %get3A_128 = vector.load %arg2[%get3A_126, %get3A_127] : memref<3072x512xf32, #tpu.memory_space<vmem>>, vector<512x512xf32>
      %dot_general3A_129 = arith.constant dense<0.000000e+00> : vector<512x128xf32>
      %dot_general3A_130 = tpu.matmul %get3A_128, %get3A_24, %dot_general3A_129 {dimension_numbers = #tpu.dot_dimension_numbers<[1], [0], [0], [1], [0, 0, 1, 1], [], []>, transpose_lhs_hint = false} : vector<512x512xf32>, vector<512x128xf32>, vector<512x128xf32> -> vector<512x128xf32>
      %reduce_sum3A_131 = arith.constant dense<0.000000e+00> : vector<512xf32>
      %reduce_sum3A_132 = vector.multi_reduction <add>, %get3A_128, %reduce_sum3A_131 [1] : vector<512x512xf32> to vector<512xf32>
      %broadcast_in_dim3A_133 = vector.shape_cast %reduce_sum3A_132 : vector<512xf32> to vector<512x1xf32>
      %max3A_134 = arith.constant 1.000000e+00 : f32
      %max3A_135 = vector.broadcast %max3A_134 : f32 to vector<512x1xf32>
      %max3A_136 = arith.maximumf %broadcast_in_dim3A_133, %max3A_135 : vector<512x1xf32>
      %get3A_137 = arith.constant 512 : index
      %get3A_138 = arith.constant 0 : index
      %get3A_139 = vector.load %arg3[%get3A_137, %get3A_138] : memref<768x128xf32, #tpu.memory_space<vmem>>, vector<128x128xf32>
      %div3A_140 = vector.broadcast %max3A_136 : vector<512x1xf32> to vector<512x128xf32>
      %div3A_141 = arith.divf %dot_general3A_130, %div3A_140 : vector<512x128xf32>
      %dot_general3A_142 = arith.constant dense<0.000000e+00> : vector<512x128xf32>
      %dot_general3A_143 = tpu.matmul %div3A_141, %get3A_139, %dot_general3A_142 {dimension_numbers = #tpu.dot_dimension_numbers<[1], [0], [0], [1], [0, 0, 1, 1], [], []>, transpose_lhs_hint = false} : vector<512x128xf32>, vector<128x128xf32>, vector<512x128xf32> -> vector<512x128xf32>
      %add3A_144 = arith.addf %add3A_125, %dot_general3A_143 : vector<512x128xf32>
      %dot_general3A_145 = arith.constant dense<0.000000e+00> : vector<512x128xf32>
      %dot_general3A_146 = tpu.matmul %get3A_24, %get3A_27, %dot_general3A_145 {dimension_numbers = #tpu.dot_dimension_numbers<[1], [0], [0], [1], [0, 0, 1, 1], [], []>, transpose_lhs_hint = false} : vector<512x128xf32>, vector<128x128xf32>, vector<512x128xf32> -> vector<512x128xf32>
      %add3A_147 = arith.addf %add3A_144, %dot_general3A_146 : vector<512x128xf32>
      %get3A_148 = arith.constant 0 : index
      %get3A_149 = arith.constant 0 : index
      %get3A_150 = vector.load %arg5[%get3A_148, %get3A_149] : memref<1x128xf32, #tpu.memory_space<vmem>>, vector<1x128xf32>
      %add3A_151 = vector.broadcast %get3A_150 : vector<1x128xf32> to vector<512x128xf32>
      %add3A_152 = arith.addf %add3A_147, %add3A_151 : vector<512x128xf32>
      %max3A_153 = arith.constant 0.000000e+00 : f32
      %max3A_154 = vector.broadcast %max3A_153 : f32 to vector<512x128xf32>
      %max3A_155 = arith.maximumf %add3A_88, %max3A_154 : vector<512x128xf32>
      %max3A_156 = arith.constant 0.000000e+00 : f32
      %max3A_157 = vector.broadcast %max3A_156 : f32 to vector<512x128xf32>
      %max3A_158 = arith.maximumf %add3A_152, %max3A_157 : vector<512x128xf32>
      %add3A_159 = arith.addf %get3A_21, %max3A_155 : vector<512x128xf32>
      %reduce_sum3A_160 = arith.constant dense<0.000000e+00> : vector<512xf32>
      %reduce_sum3A_161 = vector.multi_reduction <add>, %add3A_159, %reduce_sum3A_160 [1] : vector<512x128xf32> to vector<512xf32>
      %broadcast_in_dim3A_162 = vector.shape_cast %reduce_sum3A_161 : vector<512xf32> to vector<512x1xf32>
      %div3A_163 = arith.constant 1.280000e+02 : f32
      %div3A_164 = vector.broadcast %div3A_163 : f32 to vector<512x1xf32>
      %div3A_165 = arith.divf %broadcast_in_dim3A_162, %div3A_164 : vector<512x1xf32>
      %sub3A = vector.broadcast %div3A_165 : vector<512x1xf32> to vector<512x128xf32>
      %sub3A_166 = arith.subf %add3A_159, %sub3A : vector<512x128xf32>
      %integer_pow3A = arith.mulf %sub3A_166, %sub3A_166 : vector<512x128xf32>
      %reduce_sum3A_167 = arith.constant dense<0.000000e+00> : vector<512xf32>
      %reduce_sum3A_168 = vector.multi_reduction <add>, %integer_pow3A, %reduce_sum3A_167 [1] : vector<512x128xf32> to vector<512xf32>
      %broadcast_in_dim3A_169 = vector.shape_cast %reduce_sum3A_168 : vector<512xf32> to vector<512x1xf32>
      %div3A_170 = arith.constant 1.280000e+02 : f32
      %div3A_171 = vector.broadcast %div3A_170 : f32 to vector<512x1xf32>
      %div3A_172 = arith.divf %broadcast_in_dim3A_169, %div3A_171 : vector<512x1xf32>
      %sub3A_173 = vector.broadcast %div3A_165 : vector<512x1xf32> to vector<512x128xf32>
      %sub3A_174 = arith.subf %add3A_159, %sub3A_173 : vector<512x128xf32>
      %add3A_175 = arith.constant 9.99999974E-6 : f32
      %add3A_176 = vector.broadcast %add3A_175 : f32 to vector<512x1xf32>
      %add3A_177 = arith.addf %div3A_172, %add3A_176 : vector<512x1xf32>
      %sqrt3A = math.sqrt %add3A_177 : vector<512x1xf32>
      %div3A_178 = vector.broadcast %sqrt3A : vector<512x1xf32> to vector<512x128xf32>
      %div3A_179 = arith.divf %sub3A_174, %div3A_178 : vector<512x128xf32>
      %get3A_180 = arith.constant 0 : index
      %get3A_181 = arith.constant 0 : index
      %get3A_182 = vector.load %arg6[%get3A_180, %get3A_181] : memref<1x128xf32, #tpu.memory_space<vmem>>, vector<1x128xf32>
      %mul3A_183 = vector.broadcast %get3A_182 : vector<1x128xf32> to vector<512x128xf32>
      %mul3A_184 = arith.mulf %div3A_179, %mul3A_183 : vector<512x128xf32>
      %get3A_185 = arith.constant 0 : index
      %get3A_186 = arith.constant 0 : index
      %get3A_187 = vector.load %arg7[%get3A_185, %get3A_186] : memref<1x128xf32, #tpu.memory_space<vmem>>, vector<1x128xf32>
      %add3A_188 = vector.broadcast %get3A_187 : vector<1x128xf32> to vector<512x128xf32>
      %add3A_189 = arith.addf %mul3A_184, %add3A_188 : vector<512x128xf32>
      %add3A_190 = arith.addf %get3A_24, %max3A_158 : vector<512x128xf32>
      %reduce_sum3A_191 = arith.constant dense<0.000000e+00> : vector<512xf32>
      %reduce_sum3A_192 = vector.multi_reduction <add>, %add3A_190, %reduce_sum3A_191 [1] : vector<512x128xf32> to vector<512xf32>
      %broadcast_in_dim3A_193 = vector.shape_cast %reduce_sum3A_192 : vector<512xf32> to vector<512x1xf32>
      %div3A_194 = arith.constant 1.280000e+02 : f32
      %div3A_195 = vector.broadcast %div3A_194 : f32 to vector<512x1xf32>
      %div3A_196 = arith.divf %broadcast_in_dim3A_193, %div3A_195 : vector<512x1xf32>
      %sub3A_197 = vector.broadcast %div3A_196 : vector<512x1xf32> to vector<512x128xf32>
      %sub3A_198 = arith.subf %add3A_190, %sub3A_197 : vector<512x128xf32>
      %integer_pow3A_199 = arith.mulf %sub3A_198, %sub3A_198 : vector<512x128xf32>
      %reduce_sum3A_200 = arith.constant dense<0.000000e+00> : vector<512xf32>
      %reduce_sum3A_201 = vector.multi_reduction <add>, %integer_pow3A_199, %reduce_sum3A_200 [1] : vector<512x128xf32> to vector<512xf32>
      %broadcast_in_dim3A_202 = vector.shape_cast %reduce_sum3A_201 : vector<512xf32> to vector<512x1xf32>
      %div3A_203 = arith.constant 1.280000e+02 : f32
      %div3A_204 = vector.broadcast %div3A_203 : f32 to vector<512x1xf32>
      %div3A_205 = arith.divf %broadcast_in_dim3A_202, %div3A_204 : vector<512x1xf32>
      %sub3A_206 = vector.broadcast %div3A_196 : vector<512x1xf32> to vector<512x128xf32>
      %sub3A_207 = arith.subf %add3A_190, %sub3A_206 : vector<512x128xf32>
      %add3A_208 = arith.constant 9.99999974E-6 : f32
      %add3A_209 = vector.broadcast %add3A_208 : f32 to vector<512x1xf32>
      %add3A_210 = arith.addf %div3A_205, %add3A_209 : vector<512x1xf32>
      %sqrt3A_211 = math.sqrt %add3A_210 : vector<512x1xf32>
      %div3A_212 = vector.broadcast %sqrt3A_211 : vector<512x1xf32> to vector<512x128xf32>
      %div3A_213 = arith.divf %sub3A_207, %div3A_212 : vector<512x128xf32>
      %get3A_214 = arith.constant 0 : index
      %get3A_215 = arith.constant 0 : index
      %get3A_216 = vector.load %arg6[%get3A_214, %get3A_215] : memref<1x128xf32, #tpu.memory_space<vmem>>, vector<1x128xf32>
      %mul3A_217 = vector.broadcast %get3A_216 : vector<1x128xf32> to vector<512x128xf32>
      %mul3A_218 = arith.mulf %div3A_213, %mul3A_217 : vector<512x128xf32>
      %get3A_219 = arith.constant 0 : index
      %get3A_220 = arith.constant 0 : index
      %get3A_221 = vector.load %arg7[%get3A_219, %get3A_220] : memref<1x128xf32, #tpu.memory_space<vmem>>, vector<1x128xf32>
      %add3A_222 = vector.broadcast %get3A_221 : vector<1x128xf32> to vector<512x128xf32>
      %add3A_223 = arith.addf %mul3A_218, %add3A_222 : vector<512x128xf32>
      %swap3A_224 = arith.constant 0 : index
      %swap3A_225 = arith.constant 0 : index
      %swap3A_226 = vector.load %arg14[%swap3A_224, %swap3A_225] : memref<512x128xf32, #tpu.memory_space<vmem>>, vector<512x128xf32>
      tpu.vector_store %arg14[%swap3A_224, %swap3A_225], %add3A_189 {strides = array<i32>} : memref<512x128xf32, #tpu.memory_space<vmem>>, vector<512x128xf32>,
      %swap3A_227 = arith.constant 0 : index
      %swap3A_228 = arith.constant 0 : index
      %swap3A_229 = vector.load %arg15[%swap3A_227, %swap3A_228] : memref<512x128xf32, #tpu.memory_space<vmem>>, vector<512x128xf32>
      tpu.vector_store %arg15[%swap3A_227, %swap3A_228], %add3A_223 {strides = array<i32>} : memref<512x128xf32, #tpu.memory_space<vmem>>, vector<512x128xf32>,
      %get3A_230 = arith.constant 0 : index
      %get3A_231 = arith.constant 0 : index
      %get3A_232 = vector.load %arg10[%get3A_230, %get3A_231] : memref<128x128xf32, #tpu.memory_space<vmem>>, vector<128x128xf32>
      %get3A_233 = arith.constant 0 : index
      %get3A_234 = arith.constant 0 : index
      %get3A_235 = vector.load %arg8[%get3A_233, %get3A_234] : memref<512x128xf32, #tpu.memory_space<vmem>>, vector<512x128xf32>
      %mul3A_236 = arith.mulf %add3A_189, %get3A_235 : vector<512x128xf32>
      %dot_general3A_237 = arith.constant dense<0.000000e+00> : vector<512x128xf32>
      %dot_general3A_238 = tpu.matmul %add3A_189, %get3A_232, %dot_general3A_237 {dimension_numbers = #tpu.dot_dimension_numbers<[1], [0], [0], [1], [0, 0, 1, 1], [], []>, transpose_lhs_hint = false} : vector<512x128xf32>, vector<128x128xf32>, vector<512x128xf32> -> vector<512x128xf32>
      %get3A_239 = arith.constant 0 : index
      %get3A_240 = arith.constant 0 : index
      %get3A_241 = vector.load %arg9[%get3A_239, %get3A_240] : memref<512x128xf32, #tpu.memory_space<vmem>>, vector<512x128xf32>
      %mul3A_242 = arith.mulf %dot_general3A_238, %get3A_241 : vector<512x128xf32>
      %add3A_243 = arith.addf %mul3A_236, %mul3A_242 : vector<512x128xf32>
      %get3A_244 = arith.constant 0 : index
      %get3A_245 = arith.constant 0 : index
      %get3A_246 = vector.load %arg8[%get3A_244, %get3A_245] : memref<512x128xf32, #tpu.memory_space<vmem>>, vector<512x128xf32>
      %mul3A_247 = arith.mulf %add3A_223, %get3A_246 : vector<512x128xf32>
      %dot_general3A_248 = arith.constant dense<0.000000e+00> : vector<512x128xf32>
      %dot_general3A_249 = tpu.matmul %add3A_223, %get3A_232, %dot_general3A_248 {dimension_numbers = #tpu.dot_dimension_numbers<[1], [0], [0], [1], [0, 0, 1, 1], [], []>, transpose_lhs_hint = false} : vector<512x128xf32>, vector<128x128xf32>, vector<512x128xf32> -> vector<512x128xf32>
      %get3A_250 = arith.constant 0 : index
      %get3A_251 = arith.constant 0 : index
      %get3A_252 = vector.load %arg9[%get3A_250, %get3A_251] : memref<512x128xf32, #tpu.memory_space<vmem>>, vector<512x128xf32>
      %mul3A_253 = arith.mulf %dot_general3A_249, %get3A_252 : vector<512x128xf32>
      %add3A_254 = arith.addf %mul3A_247, %mul3A_253 : vector<512x128xf32>
      %get3A_255 = arith.constant 0 : index
      %get3A_256 = arith.constant 0 : index
      %get3A_257 = vector.load %arg11[%get3A_255, %get3A_256] : memref<128x128xf32, #tpu.memory_space<vmem>>, vector<128x128xf32>
      %dot_general3A_258 = arith.constant dense<0.000000e+00> : vector<512x128xf32>
      %dot_general3A_259 = tpu.matmul %add3A_243, %get3A_257, %dot_general3A_258 {dimension_numbers = #tpu.dot_dimension_numbers<[1], [0], [0], [1], [0, 0, 1, 1], [], []>, transpose_lhs_hint = false} : vector<512x128xf32>, vector<128x128xf32>, vector<512x128xf32> -> vector<512x128xf32>
      %get3A_260 = arith.constant 0 : index
      %get3A_261 = arith.constant 0 : index
      %get3A_262 = vector.load %arg13[%get3A_260, %get3A_261] : memref<1x128xf32, #tpu.memory_space<vmem>>, vector<1x128xf32>
      %add3A_263 = vector.broadcast %get3A_262 : vector<1x128xf32> to vector<512x128xf32>
      %add3A_264 = arith.addf %dot_general3A_259, %add3A_263 : vector<512x128xf32>
      %swap3A_265 = arith.constant 0 : index
      %swap3A_266 = arith.constant 0 : index
      %swap3A_267 = vector.load %arg17[%swap3A_265, %swap3A_266] : memref<512x128xf32, #tpu.memory_space<vmem>>, vector<512x128xf32>
      tpu.vector_store %arg17[%swap3A_265, %swap3A_266], %add3A_264 {strides = array<i32>} : memref<512x128xf32, #tpu.memory_space<vmem>>, vector<512x128xf32>,
      %get3A_268 = arith.constant 0 : index
      %get3A_269 = arith.constant 0 : index
      %get3A_270 = vector.load %arg12[%get3A_268, %get3A_269] : memref<128x128xf32, #tpu.memory_space<vmem>>, vector<128x128xf32>
      %dot_general3A_271 = arith.constant dense<0.000000e+00> : vector<512x128xf32>
      %dot_general3A_272 = tpu.matmul %add3A_254, %get3A_270, %dot_general3A_271 {dimension_numbers = #tpu.dot_dimension_numbers<[1], [0], [0], [1], [0, 0, 1, 1], [], []>, transpose_lhs_hint = false} : vector<512x128xf32>, vector<128x128xf32>, vector<512x128xf32> -> vector<512x128xf32>
      %swap3A_273 = arith.constant 0 : index
      %swap3A_274 = arith.constant 0 : index
      %swap3A_275 = vector.load %arg18[%swap3A_273, %swap3A_274] : memref<512x128xf32, #tpu.memory_space<vmem>>, vector<512x128xf32>
      tpu.vector_store %arg18[%swap3A_273, %swap3A_274], %dot_general3A_272 {strides = array<i32>} : memref<512x128xf32, #tpu.memory_space<vmem>>, vector<512x128xf32>,
    } else {
    }
    %mul3A = arith.constant 128 : i32
    %mul3A_2 = arith.muli %arg0, %mul3A : i32
    %get3A = arith.index_cast %mul3A_2 : i32 to index
    %get3A_3 = arith.constant 0 : index
    %get3A_4 = vector.load %arg17[%get3A, %get3A_3] : memref<512x128xf32, #tpu.memory_space<vmem>>, vector<128x128xf32>
    %mul3A_5 = arith.constant 128 : i32
    %mul3A_6 = arith.muli %arg0, %mul3A_5 : i32
    %get3A_7 = arith.index_cast %mul3A_6 : i32 to index
    %get3A_8 = arith.constant 0 : index
    %get3A_9 = vector.load %arg18[%get3A_7, %get3A_8] : memref<512x128xf32, #tpu.memory_space<vmem>>, vector<128x128xf32>
    %broadcast_in_dim3A = vector.shape_cast %get3A_4 : vector<128x128xf32> to vector<1x128x1x128xf32>
    %broadcast_in_dim3A_10 = vector.shape_cast %get3A_9 : vector<128x128xf32> to vector<1x1x128x128xf32>
    %add3A = vector.broadcast %broadcast_in_dim3A : vector<1x128x1x128xf32> to vector<1x128x128x128xf32>
    %add3A_11 = vector.broadcast %broadcast_in_dim3A_10 : vector<1x1x128x128xf32> to vector<1x128x128x128xf32>
    %add3A_12 = arith.addf %add3A, %add3A_11 : vector<1x128x128x128xf32>
    %max3A = arith.constant 0.000000e+00 : f32
    %max3A_13 = vector.broadcast %max3A : f32 to vector<1x128x128x128xf32>
    %max3A_14 = arith.maximumf %add3A_12, %max3A_13 : vector<1x128x128x128xf32>
    %swap3A = arith.constant 0 : index
    %swap3A_15 = arith.constant 0 : index
    %swap3A_16 = arith.constant 0 : index
    %swap3A_17 = arith.constant 0 : index
    %swap3A_18 = vector.load %arg16[%swap3A, %swap3A_15, %swap3A_16, %swap3A_17] : memref<1x128x128x128xf32, #tpu.memory_space<vmem>>, vector<1x128x128x128xf32>
    tpu.vector_store %arg16[%swap3A, %swap3A_15, %swap3A_16, %swap3A_17], %max3A_14 {strides = array<i32>} : memref<1x128x128x128xf32, #tpu.memory_space<vmem>>, vector<1x128x128x128xf32>,
    return
  }
  func.func @transform_0(%arg0: i32) -> (i32, i32) {
    %c0_i32 = arith.constant 0 : i32
    %c0_i32_0 = arith.constant 0 : i32
    %c0_i32_1 = arith.constant 0 : i32
    return %c0_i32, %c0_i32_0 : i32, i32
  }
  func.func @transform_1(%arg0: i32) -> (i32, i32) {
    %c0_i32 = arith.constant 0 : i32
    %c0_i32_0 = arith.constant 0 : i32
    %c0_i32_1 = arith.constant 0 : i32
    return %c0_i32, %c0_i32_0 : i32, i32
  }
  func.func @transform_2(%arg0: i32) -> (i32, i32) {
    %c0_i32 = arith.constant 0 : i32
    %c0_i32_0 = arith.constant 0 : i32
    %c0_i32_1 = arith.constant 0 : i32
    return %c0_i32, %c0_i32_0 : i32, i32
  }
  func.func @transform_3(%arg0: i32) -> (i32, i32) {
    %c0_i32 = arith.constant 0 : i32
    %c0_i32_0 = arith.constant 0 : i32
    %c0_i32_1 = arith.constant 0 : i32
    return %c0_i32, %c0_i32_0 : i32, i32
  }
  func.func @transform_4(%arg0: i32) -> (i32, i32) {
    %c0_i32 = arith.constant 0 : i32
    %c0_i32_0 = arith.constant 0 : i32
    %c0_i32_1 = arith.constant 0 : i32
    return %c0_i32, %c0_i32_0 : i32, i32
  }
  func.func @transform_5(%arg0: i32) -> (i32, i32) {
    %c0_i32 = arith.constant 0 : i32
    %c0_i32_0 = arith.constant 0 : i32
    %c0_i32_1 = arith.constant 0 : i32
    return %c0_i32, %c0_i32_0 : i32, i32
  }
  func.func @transform_6(%arg0: i32) -> (i32, i32) {
    %c0_i32 = arith.constant 0 : i32
    %c0_i32_0 = arith.constant 0 : i32
    %c0_i32_1 = arith.constant 0 : i32
    return %c0_i32, %c0_i32_0 : i32, i32
  }
  func.func @transform_7(%arg0: i32) -> (i32, i32) {
    %c0_i32 = arith.constant 0 : i32
    %c0_i32_0 = arith.constant 0 : i32
    %c0_i32_1 = arith.constant 0 : i32
    return %c0_i32, %c0_i32_0 : i32, i32
  }
  func.func @transform_8(%arg0: i32) -> (i32, i32) {
    %c0_i32 = arith.constant 0 : i32
    %c0_i32_0 = arith.constant 0 : i32
    %c0_i32_1 = arith.constant 0 : i32
    return %c0_i32, %c0_i32_0 : i32, i32
  }
  func.func @transform_9(%arg0: i32) -> (i32, i32) {
    %c0_i32 = arith.constant 0 : i32
    %c0_i32_0 = arith.constant 0 : i32
    %c0_i32_1 = arith.constant 0 : i32
    return %c0_i32, %c0_i32_0 : i32, i32
  }
  func.func @transform_10(%arg0: i32) -> (i32, i32) {
    %c0_i32 = arith.constant 0 : i32
    %c0_i32_0 = arith.constant 0 : i32
    %c0_i32_1 = arith.constant 0 : i32
    return %c0_i32, %c0_i32_0 : i32, i32
  }
  func.func @transform_11(%arg0: i32) -> (i32, i32) {
    %c0_i32 = arith.constant 0 : i32
    %c0_i32_0 = arith.constant 0 : i32
    %c0_i32_1 = arith.constant 0 : i32
    return %c0_i32, %c0_i32_0 : i32, i32
  }
  func.func @transform_12(%arg0: i32) -> (i32, i32) {
    %c0_i32 = arith.constant 0 : i32
    %c0_i32_0 = arith.constant 0 : i32
    %c0_i32_1 = arith.constant 0 : i32
    return %c0_i32, %c0_i32_0 : i32, i32
  }
  func.func @transform_13(%arg0: i32) -> (i32, i32) {
    %c0_i32 = arith.constant 0 : i32
    %c0_i32_0 = arith.constant 0 : i32
    %c0_i32_1 = arith.constant 0 : i32
    return %c0_i32, %c0_i32_0 : i32, i32
  }
  func.func @transform_14(%arg0: i32) -> (i32, i32) {
    %c0_i32 = arith.constant 0 : i32
    %c0_i32_0 = arith.constant 0 : i32
    %c0_i32_1 = arith.constant 0 : i32
    return %c0_i32, %c0_i32_0 : i32, i32
  }
  func.func @transform_15(%arg0: i32) -> (i32, i32, i32, i32) {
    %c0_i32 = arith.constant 0 : i32
    %c0_i32_0 = arith.constant 0 : i32
    %c0_i32_1 = arith.constant 0 : i32
    %c0_i32_2 = arith.constant 0 : i32
    return %arg0, %c0_i32, %c0_i32_0, %c0_i32_1 : i32, i32, i32, i32
  }
}

</mosaic_0001>

<sc_bundles>
// kernel: kernel.5.cloned.1.call-start
scs
__scs_entry_jumppad:
0x0: {  	(pc) =	sbr.rel $0x88, $3  }
0x1: {  	(tag) =	ssettag $0x0;
	lr =	simm.s32 $0x1  }
0x2: {  	[smem:$0x3F8C] =	sst lr;
	_ =	strace $0xD0000000  }
0x3: {  	_ = 	snop  }
0x4: {  	_ = 	snop  }
0x5: {  	_ = 	snop  }
0x6: {  	_ = 	snop  }
0x7: {  	_ = 	snop  }
__scs_overlays_trampoline_lowered:
0x8: {  	[smem:$0x3F9B] =	sst s0  }
0x9: {  	[smem:$0x3F9C] =	sst s1  }
0xa: {  	[smem:$0x3F9D] =	sst s2  }
0xb: {  	[smem:$0x3F9E] =	sst s3  }
0xc: {  	[smem:$0x3F9F] =	sst s4  }
0xd: {  	[smem:$0x3FA0] =	sst s5  }
0xe: {  	[smem:$0x3FA1] =	sst s6  }
0xf: {  	[smem:$0x3FA2] =	sst s7  }
0x10: {  	[smem:$0x3FA3] =	sst s8  }
0x11: {  	[smem:$0x3FA4] =	sst s9;
	s0 =	simm.s32 @!p0 $0x0  }
0x12: {  	s1 =	sld [smem:$0x3F8A];
	s0 =	simm.s32 @p0 $0x1  }
0x13: {  	[smem:$0x3FA5] =	sst s0;
	s0 =	simm.s32 @!p1 $0x0  }
0x14: {  	s2 =	sld [smem:$0x3F89];
	s0 =	simm.s32 @p1 $0x1  }
0x15: {  	[smem:$0x3FA6] =	sst s0;
	s0 =	simm.s32 @!p2 $0x0  }
0x16: {  	s3 =	sld [smem:$0x3FDB];
	s0 =	simm.s32 @p2 $0x1  }
0x17: {  	s4 =	simm.s32 $0x1BF5;
	[smem:$0x3FA8] =	sst s0  }
0x18: {  	s0 =	sld [smem:$0x3F8B];
	_ =	swait.ge [sflag:s4], $0x0  }
0x19: {  	s7 =	sld [smem:$0x3F8C]  }
0x1a: {  	s8 =	sadd.s32 $0xFFFFE003, lr  }
0x1b: {  	s9 =	sadd.s32 $0xFFFFFEF7, lr;
	s5 =	simm.s32 $0xFFFFFFFF;
	p2 =	slt.u32 s8, $0xFFFFF086  }
0x1c: {  	p1 =	slt.u32 s9, $0xF7A;
	s5 =	simm.s32 @!p2 $0x0  }
0x1d: {  	s5 =	simm.s32 @p1 $0x1;
	p0 =	seq.s32 s7, s2  }
0x1e: {  	s7 =	smul.u32 @!p0 $0xF7A, s2;
	p2 =	seq.s32 @!p0 s5, $0x0  }
0x1f: {  	s9 =	smul.u32 $0xF7A, s1;
	s8 =	simm.s32 @!p0 $0x1BF5;
	p2 =	por !p2, p0  }
0x20: {  	[sflag:s8] =	ssyncset.s32 @!p0 $0xFFFFF086;
	s6 =	sadd.s32 @!p0 s3, s7;
	s7 =	simm.s32 @!p0 $0x108  }
0x21: {  	s3 =	sadd.s32 s3, s9;
	s6 =	sadd.s32 @!p0 $0x88, s6;
	s7 =	simm.s32 @p2 $0x1082  }
0x22: {  	[simem:s7], [sflag:s8] =	dma.local @!p0 [hbm:s6], $0xF7A  }
0x23: {  	s9 =	sor.u32 $0xD0000000, s2;
	s6 =	simm.s32 $0x108;
	_ =	swait.ge @!p0 [sflag:s8], $0x0  }
0x24: {  	s3 =	sadd.s32 $0x88, s3;
	s6 =	simm.s32 @!p1 $0x1082;
	[sflag:s4] =	ssyncset.s32 $0xFFFFF086  }
0x25: {  	[simem:s6], [sflag:s4] =	dma.local [hbm:s3], $0xF7A  }
0x26: {  	[smem:$0x3F8C] =	sst s1;
	(tag) =	ssettag s2;
	_ =	strace s9  }
0x27: {  	s1 =	sld [smem:$0x3F9C]  }
0x28: {  	s2 =	sld [smem:$0x3F9D]  }
0x29: {  	s4 =	sld [smem:$0x3F9F]  }
0x2a: {  	p0 =	seq.s32 s5, $0x0;
	s5 =	sld [smem:$0x3FA0]  }
0x2b: {  	s6 =	sld [smem:$0x3FA1]  }
0x2c: {  	s7 =	sld [smem:$0x3FA2]  }
0x2d: {  	s3 =	simm.s32 $0x108;
	s8 =	sld [smem:$0x3FA3]  }
0x2e: {  	s3 =	simm.s32 @!p0 $0x1082;
	s9 =	sld [smem:$0x3FA4]  }
0x2f: {  	lr =	sadd.s32 s0, s3;
	s0 =	sld [smem:$0x3F9B]  }
0x30: {  	s3 =	sld [smem:$0x3F9E]  }
0x31: {  	[smem:$0x3FA7] =	sst s10  }
0x32: {  	s10 =	sld [smem:$0x3FA5];
	_ =	sdelay $0x3  }
0x33: {  	p0 =	seq.s32 s10, $0x1;
	s10 =	sld [smem:$0x3FA7];
	_ =	sdelay $0x3  }
0x34: {  	[smem:$0x3FA7] =	sst s10  }
0x35: {  	s10 =	sld [smem:$0x3FA6];
	_ =	sdelay $0x3  }
0x36: {  	p1 =	seq.s32 s10, $0x1;
	s10 =	sld [smem:$0x3FA7];
	_ =	sdelay $0x3  }
0x37: {  	[smem:$0x3FA7] =	sst s10  }
0x38: {  	s10 =	sld [smem:$0x3FA8]  }
0x39: {  	_ = 	snop;
	(pc) =	sbr.ind lr, $3  }
0x3a: {  	_ = 	snop  }
0x3b: {  	_ = 	snop  }
0x3c: {  	p2 =	seq.s32 s10, $0x1;
	s10 =	sld [smem:$0x3FA7]  }
0x3d: {  	_ =	shalt  }
0x3e: {  	_ =	shalt  }
0x3f: {  	_ =	shalt  }
0x40: {  	_ =	shalt  }
0x41: {  	_ =	shalt  }
0x42: {  	_ =	shalt  }
0x43: {  	_ =	shalt  }
0x44: {  	_ =	shalt  }
0x45: {  	_ =	shalt  }
0x46: {  	_ =	shalt  }
0x47: {  	_ =	shalt  }
0x48: {  	_ =	shalt  }
0x49: {  	_ =	shalt  }
0x4a: {  	_ =	shalt  }
0x4b: {  	_ =	shalt  }
0x4c: {  	_ =	shalt  }
0x4d: {  	_ =	shalt  }
0x4e: {  	_ =	shalt  }
0x4f: {  	_ =	shalt  }
0x50: {  	_ =	shalt  }
0x51: {  	_ =	shalt  }
0x52: {  	_ =	shalt  }
0x53: {  	_ =	shalt  }
0x54: {  	_ =	shalt  }
0x55: {  	_ =	shalt  }
0x56: {  	_ =	shalt  }
0x57: {  	_ =	shalt  }
0x58: {  	_ =	shalt  }
0x59: {  	_ =	shalt  }
0x5a: {  	_ =	shalt  }
0x5b: {  	_ =	shalt  }
0x5c: {  	_ =	shalt  }
0x5d: {  	_ =	shalt  }
0x5e: {  	_ =	shalt  }
0x5f: {  	_ =	shalt  }
0x60: {  	_ =	shalt  }
0x61: {  	_ =	shalt  }
0x62: {  	_ =	shalt  }
0x63: {  	_ =	shalt  }
0x64: {  	_ =	shalt  }
0x65: {  	_ =	shalt  }
0x66: {  	_ =	shalt  }
0x67: {  	_ =	shalt  }
0x68: {  	_ =	shalt  }
0x69: {  	_ =	shalt  }
0x6a: {  	_ =	shalt  }
0x6b: {  	_ =	shalt  }
0x6c: {  	_ =	shalt  }
0x6d: {  	_ =	shalt  }
0x6e: {  	_ =	shalt  }
0x6f: {  	_ =	shalt  }
0x70: {  	_ =	shalt  }
0x71: {  	_ =	shalt  }
0x72: {  	_ =	shalt  }
0x73: {  	_ =	shalt  }
0x74: {  	_ =	shalt  }
0x75: {  	_ =	shalt  }
0x76: {  	_ =	shalt  }
0x77: {  	_ =	shalt  }
0x78: {  	_ =	shalt  }
0x79: {  	_ =	shalt  }
0x7a: {  	_ =	shalt  }
0x7b: {  	_ =	shalt  }
0x7c: {  	_ =	shalt  }
0x7d: {  	_ =	shalt  }
0x7e: {  	_ =	shalt  }
0x7f: {  	_ =	shalt  }
0x80: {  	_ =	shalt  }
0x81: {  	_ =	shalt  }
0x82: {  	_ =	shalt  }
0x83: {  	_ =	shalt  }
0x84: {  	_ =	shalt  }
0x85: {  	_ =	shalt  }
0x86: {  	_ =	shalt  }
0x87: {  	_ =	shalt  }
.Lfunc_end0:
.L_simem_size_0:
called_computation_lowered:
.L_overlay_start_0:
0x88: {  	s2 =	sld [smem:$0x3FD9]  }
0x89: {  	s3 =	sld [smem:$0x3FFE];
	_ =	sdelay $0x1  }
0x8a: {  	s1 =	srdreg.scid  }
0x8b: {  	s0 =	sand.u32 $0x1, s1  }
0x8c: {  	s14 =	sshll.u32 s0, $0xA;
	s2 =	sadd.s32 s3, s2  }
0x8d: {  	s2 =	sadd.s32 s2, s14  }
0x8e: {  	[smem:$0x3FB3] =	sst s2  }
0x8f: {  	_ = 	snop  }
0x90: {  	s2 =	sld [smem:$0x3FD0];
	_ =	sdelay $0x2  }
0x91: {  	s15 =	simm.s32 $0xA;
	s4 =	simm.s32 $0x10  }
0x92: {  	[smem:s4], [sflag:s15] =	dma.local [hbm:s2], $0x1  }
0x93: {  	_ =	swait.eq [sflag:s15], $0x1  }
0x94: {  	s16 =	sld [smem:$0x10];
	[sflag:s15] =	ssyncset.done $0x0  }
0x95: {  	s17 =	sld [smem:$0x11];
	[sflag:s15] =	ssyncadd.s32 $0xFFFFFFFF  }
0x96: {  	s18 =	sld [smem:$0x12];
	(tm) =	ssettm $0x1  }
0x97: {  	s5 =	sld [smem:$0x3FFB];
	_ =	sdelay $0x3  }
0x98: {  	_ =	strace s5  }
0x99: {  	s5 =	sld [smem:$0x3FFC];
	_ =	sdelay $0x3  }
0x9a: {  	_ =	strace s5  }
0x9b: {  	s5 =	sld [smem:$0x3FFD];
	_ =	sdelay $0x3  }
0x9c: {  	_ =	strace s5  }
0x9d: {  	_ =	strace $0x8FFFFFFF  }
0x9e: {  	s19 =	sld [smem:$0x3FDB];
	_ =	sdelay $0x1  }
0x9f: {  	s6 =	simm.s32 $_scs_section_size  }
0xa0: {  	s7 =	simm.s32 $_size__tile_overlayer_lowered;
	s8 =	simm.s32 $_tile_overlayer_lowered  }
0xa1: {  	s22 =	simm.s32 $0x1BFF;
	s21 =	sshll.u32 s8, $0x1;
	s5 =	sadd.s32 s6, s19  }
0xa2: {  	s9 =	simm.s32 $0x0;
	s20 =	sshll.u32 s7, $0x1;
	s7 =	sadd.s32 s21, s5  }
0xa3: {  	[timem:s9], [sflag:s22] =	dma.local [hbm:s7], s20  }
0xa4: {  	_ =	swait.ge [sflag:s22], s20  }
0xa5: {  	s6 =	ssub.s32 $0x0, s20;
	[sflag:s22] =	ssyncset.done $0x0  }
0xa6: {  	[sflag:s22] =	ssyncadd.s32 s6;
	_ =	sdelay $0x1  }
0xa7: {  	s23 =	simm.s32 $0x1B8B  }
0xa8: {  	_ =	swait.ge [sflag:s23], $0x1  }
0xa9: {  	[sflag:s23] =	ssyncset.done $0x0  }
0xaa: {  	s25 =	simm.s32 $0x1B8E;
	s24 =	sld [smem:$0x3FFE];
	[sflag:s23] =	ssyncadd.s32 $0xFFFFFFFF  }
0xab: {  	s26 =	simm.s32 $execute0_lowered;
	[smem:$0x3FD2] =	sst s25  }
0xac: {  	s7 =	sshll.u32 s26, $0x1;
	_ =	strace $0x80000046;
	[dreg:$0x1] =	wrdreg $0xFFFFFFFF  }
0xad: {  	s28 =	simm.s32 $_size_execute0_lowered;
	s5 =	sadd.s32 s5, s7;
	[dreg:$0x0] =	wrdreg $0x0  }
0xae: {  	s7 =	sshll.u32 s28, $0x1;
	[dreg:$0x2] =	wrdreg s5  }
0xaf: {  	[dreg:$0x3] =	wrdreg s7  }
0xb0: {  	[dreg:$0x4] =	wrdreg $0xC0  }
0xb1: {  	_ =	task [dreg:s9], $0x5FFFF  }
0xb2: {  	[dreg:$0x1] =	wrdreg $0xFFFFFFFF  }
0xb3: {  	[dreg:$0x0] =	wrdreg $0x60  }
0xb4: {  	[dreg:$0x2] =	wrdreg s24  }
0xb5: {  	[dreg:$0x3] =	wrdreg s17  }
0xb6: {  	[dreg:$0x4] =	wrdreg s16  }
0xb7: {  	[dreg:$0x5] =	wrdreg s18  }
0xb8: {  	[dreg:$0x6] =	wrdreg $0x122000  }
0xb9: {  	[dreg:$0x7] =	wrdreg $0x9  }
0xba: {  	_ =	task.clear_ibuf [dreg:s9], $0x8FFFF;
	_ =	strace $0x90000046  }
0xbb: {  	s29 =	simm.s32 $0x9;
	_ =	strace $0x80000048  }
0xbc: {  	_ =	swait.ge [sflag:s29], $0x1  }
0xbd: {  	[sflag:s29] =	ssyncadd.s32 $0xFFFFFFFF  }
0xbe: {  	_ =	strace $0x90000048  }
0xbf: {  	_ =	sfence  }
0xc0: {  	s30 =	sld [smem:$0x0];
	_ =	sdelay $0x2  }
0xc1: {  	s31 =	sshll.u32 s1, $0xD;
	s1 =	sshrl.u32 s1, $0x2  }
0xc2: {  	s3 =	sand.u32 $0x4000, s31;
	s1 =	sadd.s32 s1, s30  }
0xc3: {  	s0 =	sor.u32 s3, s0;
	s1 =	sshll.u32 s1, $0x11  }
0xc4: {  	s0 =	sor.u32 s1, s0  }
0xc5: {  	s0 =	sadd.s32 $0x8F2B, s0  }
0xc6: {  	[sflag:s0] =	ssyncadd.remote.s32 $0x1  }
0xc7: {  	_ =	sfence.sel $0xFFFF  }
0xc8: {  	[dreg:$0x0] =	wrdreg $0xFFFFFFFF;
	(pc) =	sbr.abs _section_cstart, $3  }
0xc9: {  	[dreg:$0x1] =	wrdreg $0xFFFFFFFF  }
0xca: {  	_ =	task.clear_ibuf [dreg:s9], $0x2FFFF;
	_ =	strace $0x9FFFFFFF  }
0xcb: {  	(tm) =	ssettm $0x7FFFFFFF  }
tec
execute0_lowered:
.L_overlay_start_1:
0x0: {  	(tag) =	ssettag $0x1  }
0x1: {  	s11 =	rddreg [dreg:$0x0]  }
0x2: {  	s1 =	rddreg [dreg:$0x1]  }
0x3: {  	s2 =	rddreg [dreg:$0x2]  }
0x4: {  	s13 =	rddreg [dreg:$0x3]  }
0x5: {  	s4 =	rddreg [dreg:$0x4]  }
0x6: {  	s0 =	rddreg [dreg:$0x5]  }
0x7: {  	s6 =	srdreg.scid;
	s3 =	stileid.u32  }
0x8: {  	s5 =	simm.s32 $0x0;
	s19 =	simm.s32 $0x3100;
	s29 =	smul.u32 $0x1880, s3  }
0x9: {  	s20 =	simm.s32 $0x0;
	s7 =	sand.u32 $0x1, s6;
	s12 =	smul.u32 $0xC000, s3  }
0xa: {  	[smem:$0x7FF] =	sst s5;
	s14 =	sadd.s32 $0x12600, s11;
	s9 =	smul.u32 $0x49800, s7  }
0xb: {  	s8 =	ssub.s32 $0x2, s7;
	_ =	strace $0x80000047;
	s16 =	smul.u32 $0xC0000, s7  }
0xc: {  	s10 =	sshrl.u32 s8, $0x1;
	s6 =	sadd.s32 s12, s4;
	s30 =	sadd.s32 s29, s9  }
0xd: {  	s15 =	ssub.s32 s8, s10;
	s12 =	sadd.s32 s12, s16;
	s31 =	sshrl.u32 s30, $0x3  }
0xe: {  	s16 =	sshrl.u32 s12, $0x3;
	s7 =	sadd.s32 s11, s31;
	s8 =	sadd.s32 s14, s31  }
0xf: {  	s17 =	sadd.s32 $0x3100, s31;
	s18 =	sadd.s32 $0x6200, s31;
	s13 =	sadd.s32 s13, s16  }
0x10: {  	s16 =	simm.s32 $0x1;
	s9 =	sadd.s32 s11, s17;
	s10 =	sadd.s32 s14, s17  }
0x11: {  	s11 =	sadd.s32 s11, s18;
	s12 =	sadd.s32 s14, s18;
	s14 =	smax.u32 s15, $0x1  }
0x12: {  	s15 =	simm.s32 $0x6200;
	s17 =	simm.s32 $0x4980;
	s18 =	simm.s32 $0x1880  }
.LBB2_1:
0x13: {  	[tilespmem:s15], [sflag:$0x1] =	stream.linear.gather [hbm4b:s1+s5], $0xC000, $0x38;
	[tilespmem:$0x1E208] =	vst v63  }
0x14: {  	_ =	swait.ge [sflag:s16], $0xC000  }
0x15: {  	[sflag:s16] =	ssyncset.done $0x0  }
0x16: {  	[sflag:s16] =	ssyncadd.s32 $0xFFFF4000  }
0x17: {  	[tilespmem:s17], [sflag:$0x1] =	stream.linear.gather [hbm4b:s2+s5], $0x1880, $0x38;
	[tilespmem:$0x1E208] =	vst v63  }
0x18: {  	_ =	swait.ge [sflag:s16], $0x1880  }
0x19: {  	[sflag:s16] =	ssyncset.done $0x0  }
0x1a: {  	[sflag:s16] =	ssyncadd.s32 $0xFFFFE780  }
0x1b: {  	[spmem:s6] =	stream.linear.scatter [tilespmem:s15], [sflag:$0x1], $0xC000, $0x38;
	[tilespmem:$0x1E208] =	vst v63  }
0x1c: {  	_ =	swait.ge [sflag:s16], $0xC000  }
0x1d: {  	[sflag:s16] =	ssyncset.done $0x0  }
0x1e: {  	[sflag:s16] =	ssyncadd.s32 $0xFFFF4000  }
0x1f: {  	[bflag:$0x0] =	sbarrier.arrive $0xFFFF  }
0x20: {  	[tilespmem:s5], [sflag:$0x1] =	stream.linear.gather [hbm4b:s7+s5], $0x1880, $0x38;
	[tilespmem:$0x1E208] =	vst v63  }
0x21: {  	_ =	swait.ge [sflag:s16], $0x1880  }
0x22: {  	[sflag:s16] =	ssyncset.done $0x0  }
0x23: {  	[sflag:s16] =	ssyncadd.s32 $0xFFFFE780  }
0x24: {  	[tilespmem:s18], [sflag:$0x1] =	stream.linear.gather [hbm4b:s8+s5], $0x1880, $0x38;
	[tilespmem:$0x1E208] =	vst v63  }
0x25: {  	_ =	swait.ge [sflag:s16], $0x1880  }
0x26: {  	[sflag:s16] =	ssyncset.done $0x0  }
0x27: {  	s21 =	simm.s32 $0x0;
	[sflag:s16] =	ssyncadd.s32 $0xFFFFE780  }
0x28: {  	v0 =	vld [tilespmem:s21+$0x18F0]  }
0x29: {  	v1 =	vld [tilespmem:s21+$0x70]  }
0x2a: {  	v2 =	vld [tilespmem:s21+$0x1880]  }
0x2b: {  	v3 =	vld [tilespmem:s21+$0x1890]  }
0x2c: {  	v4 =	vld [tilespmem:s21+$0x18A0]  }
0x2d: {  	v6 =	vld [tilespmem:s21+$0x18B0]  }
0x2e: {  	v9 =	vld [tilespmem:s21+$0x18C0]  }
0x2f: {  	v8 =	vld [tilespmem:s21+$0x0]  }
0x30: {  	v10 =	vld [tilespmem:s21+$0x10];
	v0 =	vshll.u32 v0, $0x9  }
0x31: {  	v0 =	vadd.s32 v1, v0;
	v1 =	vld [tilespmem:s21+$0x18D0]  }
0x32: {  	[tilespmem:s21+$0x3170] =	vst v0;
	v0 =	vld [tilespmem:s21+$0x18E0]  }
0x33: {  	v7 =	vld [tilespmem:s21+$0x20]  }
0x34: {  	v5 =	vld [tilespmem:s21+$0x30]  }
0x35: {  	v11 =	vshll.u32 v2, $0x9;
	v2 =	vld [tilespmem:s21+$0x40];
	v12 =	vshll.u32 v3, $0x9;
	v6 =	vshll.u32 v6, $0x9  }
0x36: {  	v3 =	vld [tilespmem:s21+$0x50];
	v11 =	vadd.s32 v8, v11;
	v8 =	vshll.u32 v4, $0x9;
	v4 =	vshll.u32 v9, $0x9  }
0x37: {  	s22 =	simm.s32 $0x80;
	s23 =	simm.s32 $0x400;
	v10 =	vadd.s32 v10, v12;
	v9 =	vld [tilespmem:s21+$0x60];
	[tilespmem:s21+$0x3100] =	vst v11;
	v1 =	vshll.u32 v1, $0x9;
	v0 =	vshll.u32 v0, $0x9  }
.LBB2_2:
0x38: {  	p0 =	sne.s32 s23, $0x6000;
	v11 =	vld [tilespmem:s22+$0x18F0];
	[tilespmem:s21+$0x3110] =	vst v10;
	v7 =	vadd.s32 v7, v8  }
0x39: {  	v8 =	vld [tilespmem:s22+$0x70];
	[tilespmem:s21+$0x3120] =	vst v7;
	v5 =	vadd.s32 v5, v6  }
0x3a: {  	v6 =	vld [tilespmem:s22+$0x1880];
	[tilespmem:s21+$0x3130] =	vst v5;
	v2 =	vadd.s32 v2, v4  }
0x3b: {  	v4 =	vld [tilespmem:s22+$0x1890];
	[tilespmem:s21+$0x3140] =	vst v2;
	v1 =	vadd.s32 v3, v1  }
0x3c: {  	v2 =	vld [tilespmem:s22+$0x18A0];
	[tilespmem:s21+$0x3150] =	vst v1;
	v0 =	vadd.s32 v9, v0  }
0x3d: {  	v1 =	vld [tilespmem:s22+$0x18B0];
	v3 =	vshll.u32 v11, $0x9;
	[tilespmem:s21+$0x3160] =	vst v0;
	s21 =	smov.u32 s22  }
0x3e: {  	v0 =	vld [tilespmem:s21+$0x18C0];
	v3 =	vadd.s32 v8, v3  }
0x3f: {  	v9 =	vshll.u32 v6, $0x9;
	v10 =	vld [tilespmem:s21+$0x18D0];
	[tilespmem:s21+$0x3170] =	vst v3  }
0x40: {  	v11 =	vshll.u32 v4, $0x9;
	v3 =	vld [tilespmem:s21+$0x18E0]  }
0x41: {  	v12 =	vld [tilespmem:s21+$0x0];
	v8 =	vshll.u32 v2, $0x9  }
0x42: {  	v13 =	vld [tilespmem:s21+$0x10];
	v6 =	vshll.u32 v1, $0x9  }
.Ltmp0:
0x43: {  	v7 =	vld [tilespmem:s21+$0x20];
	v4 =	vshll.u32 v0, $0x9;
	(pc) =	sbr.rel @p0 .LBB2_2-.Ltmp0, $4  }
0x44: {  	v5 =	vld [tilespmem:s21+$0x30];
	v1 =	vshll.u32 v10, $0x9  }
0x45: {  	v2 =	vld [tilespmem:s21+$0x40];
	v0 =	vshll.u32 v3, $0x9  }
0x46: {  	v9 =	vadd.s32 v12, v9;
	v3 =	vld [tilespmem:s21+$0x50]  }
0x47: {  	s22 =	sshra.s32 s23, $0x2;
	s23 =	sadd.s32 $0x200, s23;
	[tilespmem:s21+$0x3100] =	vst v9;
	v10 =	vadd.s32 v13, v11;
	v9 =	vld [tilespmem:s21+$0x60]  }
0x48: {  	v11 =	vld [tilespmem:s22+$0x18F0];
	[tilespmem:s21+$0x3110] =	vst v10;
	v7 =	vadd.s32 v7, v8  }
0x49: {  	v8 =	vld [tilespmem:s22+$0x70];
	[tilespmem:s21+$0x3120] =	vst v7;
	v5 =	vadd.s32 v5, v6  }
0x4a: {  	v6 =	vld [tilespmem:s22+$0x1880];
	[tilespmem:s21+$0x3130] =	vst v5;
	v2 =	vadd.s32 v2, v4  }
0x4b: {  	v4 =	vld [tilespmem:s22+$0x1890];
	[tilespmem:s21+$0x3140] =	vst v2;
	v1 =	vadd.s32 v3, v1  }
0x4c: {  	v2 =	vld [tilespmem:s22+$0x18A0];
	[tilespmem:s21+$0x3150] =	vst v1;
	v0 =	vadd.s32 v9, v0  }
0x4d: {  	v1 =	vld [tilespmem:s22+$0x18B0];
	[tilespmem:s21+$0x3160] =	vst v0  }
0x4e: {  	v3 =	vld [tilespmem:s22+$0x18C0]  }
0x4f: {  	v5 =	vld [tilespmem:s22+$0x18D0]  }
0x50: {  	v0 =	vshll.u32 v11, $0x9;
	v7 =	vld [tilespmem:s22+$0x0]  }
0x51: {  	v0 =	vadd.s32 v8, v0;
	v8 =	vld [tilespmem:s22+$0x10]  }
0x52: {  	v9 =	vld [tilespmem:s22+$0x20]  }
0x53: {  	v10 =	vld [tilespmem:s22+$0x30]  }
0x54: {  	v11 =	vld [tilespmem:s22+$0x40]  }
0x55: {  	[tilespmem:s22+$0x3170] =	vst v0;
	v0 =	vld [tilespmem:s22+$0x18E0];
	v6 =	vshll.u32 v6, $0x9  }
0x56: {  	v4 =	vshll.u32 v4, $0x9;
	v6 =	vadd.s32 v7, v6;
	v7 =	vld [tilespmem:s22+$0x50]  }
0x57: {  	v2 =	vshll.u32 v2, $0x9;
	v4 =	vadd.s32 v8, v4;
	[tilespmem:s22+$0x3100] =	vst v6;
	v6 =	vld [tilespmem:s22+$0x60]  }
0x58: {  	v1 =	vshll.u32 v1, $0x9;
	v2 =	vadd.s32 v9, v2;
	[tilespmem:s22+$0x3110] =	vst v4  }
0x59: {  	v3 =	vshll.u32 v3, $0x9;
	v1 =	vadd.s32 v10, v1;
	[tilespmem:s22+$0x3120] =	vst v2  }
0x5a: {  	v2 =	vshll.u32 v5, $0x9;
	[tilespmem:s22+$0x3130] =	vst v1;
	v1 =	vadd.s32 v11, v3  }
0x5b: {  	v0 =	vshll.u32 v0, $0x9;
	[tilespmem:s22+$0x3140] =	vst v1;
	v1 =	vadd.s32 v7, v2  }
0x5c: {  	[tilespmem:s22+$0x3150] =	vst v1;
	v0 =	vadd.s32 v6, v0  }
0x5d: {  	[tilespmem:s22+$0x3160] =	vst v0  }
0x5e: {  	[spmem:s4] =	stream.indirect.scatter.add.f32 [tilespmem:s17], [sflag:$0x1], $0x1, s19, s18, $0xb8;
	[tilespmem:$0x1E208] =	vst v63  }
0x5f: {  	_ =	swait.ge [sflag:s16], $0x1880  }
0x60: {  	[sflag:s16] =	ssyncset.done $0x0  }
0x61: {  	s31 =	simm.s32 $0x0;
	[sflag:s16] =	ssyncadd.s32 $0xFFFFE780  }
0x62: {  	[tilespmem:s31], [sflag:$0x1] =	stream.linear.gather [hbm4b:s9+s31], $0x1880, $0x38;
	[tilespmem:$0x1E208] =	vst v63  }
0x63: {  	_ =	swait.ge [sflag:s16], $0x1880  }
0x64: {  	[sflag:s16] =	ssyncset.done $0x0  }
0x65: {  	[sflag:s16] =	ssyncadd.s32 $0xFFFFE780  }
0x66: {  	[tilespmem:s18], [sflag:$0x1] =	stream.linear.gather [hbm4b:s10+s31], $0x1880, $0x38;
	[tilespmem:$0x1E208] =	vst v63  }
0x67: {  	_ =	swait.ge [sflag:s16], $0x1880  }
0x68: {  	[sflag:s16] =	ssyncset.done $0x0  }
0x69: {  	s21 =	simm.s32 $0x0;
	[sflag:s16] =	ssyncadd.s32 $0xFFFFE780  }
0x6a: {  	v0 =	vld [tilespmem:s21+$0x18F0]  }
0x6b: {  	v1 =	vld [tilespmem:s21+$0x70]  }
0x6c: {  	v2 =	vld [tilespmem:s21+$0x1880]  }
0x6d: {  	v3 =	vld [tilespmem:s21+$0x1890]  }
0x6e: {  	v4 =	vld [tilespmem:s21+$0x18A0]  }
0x6f: {  	v5 =	vld [tilespmem:s21+$0x18B0]  }
0x70: {  	v7 =	vld [tilespmem:s21+$0x18C0];
	v0 =	vshll.u32 v0, $0x9  }
0x71: {  	v10 =	vld [tilespmem:s21+$0x18E0];
	v0 =	vadd.s32 v0, v1  }
0x72: {  	v11 =	vld [tilespmem:s21+$0x10];
	v0 =	vadd.s32 $0x40000, v0  }
0x73: {  	[tilespmem:s21+$0x3170] =	vst v0;
	v0 =	vld [tilespmem:s21+$0x0]  }
0x74: {  	v1 =	vld [tilespmem:s21+$0x18D0]  }
0x75: {  	v9 =	vld [tilespmem:s21+$0x20]  }
0x76: {  	v6 =	vld [tilespmem:s21+$0x30];
	v12 =	vshll.u32 v2, $0x9  }
0x77: {  	v13 =	vshll.u32 v3, $0x9;
	v8 =	vshll.u32 v4, $0x9;
	v4 =	vshll.u32 v5, $0x9;
	v5 =	vld [tilespmem:s21+$0x40]  }
0x78: {  	v2 =	vshll.u32 v7, $0x9;
	v3 =	vld [tilespmem:s21+$0x50];
	v11 =	vadd.s32 v13, v11;
	v7 =	vadd.s32 v12, v0  }
0x79: {  	s23 =	simm.s32 $0x400;
	s22 =	simm.s32 $0x80;
	v1 =	vshll.u32 v1, $0x9;
	v0 =	vshll.u32 v10, $0x9;
	v10 =	vadd.s32 $0x40000, v7;
	v7 =	vld [tilespmem:s21+$0x60]  }
.LBB2_4:
0x7a: {  	p0 =	sne.s32 s23, $0x6000;
	v12 =	vld [tilespmem:s22+$0x18F0];
	[tilespmem:s21+$0x3100] =	vst v10;
	v10 =	vadd.s32 $0x40000, v11;
	v8 =	vadd.s32 v8, v9  }
0x7b: {  	v9 =	vld [tilespmem:s22+$0x70];
	[tilespmem:s21+$0x3110] =	vst v10;
	v8 =	vadd.s32 $0x40000, v8;
	v4 =	vadd.s32 v4, v6  }
0x7c: {  	v6 =	vld [tilespmem:s22+$0x1880];
	[tilespmem:s21+$0x3120] =	vst v8;
	v4 =	vadd.s32 $0x40000, v4;
	v2 =	vadd.s32 v2, v5  }
0x7d: {  	v5 =	vld [tilespmem:s22+$0x1890];
	[tilespmem:s21+$0x3130] =	vst v4;
	v2 =	vadd.s32 $0x40000, v2;
	v1 =	vadd.s32 v1, v3  }
0x7e: {  	v3 =	vld [tilespmem:s22+$0x18A0];
	[tilespmem:s21+$0x3140] =	vst v2;
	v1 =	vadd.s32 $0x40000, v1;
	v0 =	vadd.s32 v0, v7  }
0x7f: {  	v2 =	vld [tilespmem:s22+$0x18B0];
	v4 =	vshll.u32 v12, $0x9;
	[tilespmem:s21+$0x3150] =	vst v1;
	v0 =	vadd.s32 $0x40000, v0  }
0x80: {  	v1 =	vld [tilespmem:s22+$0x18C0];
	v4 =	vadd.s32 v4, v9;
	[tilespmem:s21+$0x3160] =	vst v0;
	s21 =	smov.u32 s22  }
0x81: {  	v7 =	vshll.u32 v6, $0x9;
	v0 =	vld [tilespmem:s21+$0x18D0];
	v4 =	vadd.s32 $0x40000, v4  }
0x82: {  	v11 =	vshll.u32 v5, $0x9;
	v10 =	vld [tilespmem:s21+$0x18E0];
	[tilespmem:s21+$0x3170] =	vst v4  }
0x83: {  	v12 =	vld [tilespmem:s21+$0x0];
	v8 =	vshll.u32 v3, $0x9  }
0x84: {  	v13 =	vld [tilespmem:s21+$0x10];
	v4 =	vshll.u32 v2, $0x9  }
.Ltmp1:
0x85: {  	v9 =	vld [tilespmem:s21+$0x20];
	v2 =	vshll.u32 v1, $0x9;
	(pc) =	sbr.rel @p0 .LBB2_4-.Ltmp1, $4  }
0x86: {  	v6 =	vld [tilespmem:s21+$0x30];
	v1 =	vshll.u32 v0, $0x9  }
0x87: {  	v5 =	vld [tilespmem:s21+$0x40];
	v0 =	vshll.u32 v10, $0x9  }
0x88: {  	v7 =	vadd.s32 v7, v12;
	v3 =	vld [tilespmem:s21+$0x50]  }
0x89: {  	s22 =	sshra.s32 s23, $0x2;
	s23 =	sadd.s32 $0x200, s23;
	v10 =	vadd.s32 $0x40000, v7;
	v11 =	vadd.s32 v11, v13;
	v7 =	vld [tilespmem:s21+$0x60]  }
0x8a: {  	v12 =	vld [tilespmem:s22+$0x18F0];
	[tilespmem:s21+$0x3100] =	vst v10;
	v10 =	vadd.s32 $0x40000, v11;
	v8 =	vadd.s32 v8, v9  }
0x8b: {  	v11 =	vld [tilespmem:s22+$0x70];
	[tilespmem:s21+$0x3110] =	vst v10;
	v8 =	vadd.s32 $0x40000, v8;
	v4 =	vadd.s32 v4, v6  }
0x8c: {  	v9 =	vld [tilespmem:s22+$0x1880];
	[tilespmem:s21+$0x3120] =	vst v8;
	v4 =	vadd.s32 $0x40000, v4;
	v2 =	vadd.s32 v2, v5  }
0x8d: {  	v6 =	vld [tilespmem:s22+$0x1890];
	[tilespmem:s21+$0x3130] =	vst v4;
	v2 =	vadd.s32 $0x40000, v2;
	v1 =	vadd.s32 v1, v3  }
0x8e: {  	v4 =	vld [tilespmem:s22+$0x18A0];
	[tilespmem:s21+$0x3140] =	vst v2;
	v1 =	vadd.s32 $0x40000, v1;
	v0 =	vadd.s32 v0, v7  }
0x8f: {  	v2 =	vld [tilespmem:s22+$0x18B0];
	[tilespmem:s21+$0x3150] =	vst v1;
	v0 =	vadd.s32 $0x40000, v0  }
0x90: {  	v3 =	vshll.u32 v12, $0x9;
	v1 =	vld [tilespmem:s22+$0x18C0];
	[tilespmem:s21+$0x3160] =	vst v0  }
0x91: {  	v0 =	vadd.s32 v3, v11;
	v3 =	vld [tilespmem:s22+$0x18D0]  }
0x92: {  	v0 =	vadd.s32 $0x40000, v0;
	v5 =	vld [tilespmem:s22+$0x18E0]  }
0x93: {  	[tilespmem:s22+$0x3170] =	vst v0;
	v0 =	vld [tilespmem:s22+$0x0]  }
0x94: {  	v7 =	vld [tilespmem:s22+$0x10]  }
0x95: {  	v8 =	vld [tilespmem:s22+$0x20]  }
0x96: {  	v10 =	vld [tilespmem:s22+$0x30]  }
0x97: {  	v9 =	vshll.u32 v9, $0x9;
	v11 =	vld [tilespmem:s22+$0x40]  }
0x98: {  	v6 =	vshll.u32 v6, $0x9;
	v0 =	vadd.s32 v9, v0;
	v9 =	vld [tilespmem:s22+$0x50]  }
0x99: {  	v4 =	vshll.u32 v4, $0x9;
	v6 =	vadd.s32 v6, v7;
	v7 =	vld [tilespmem:s22+$0x60];
	v0 =	vadd.s32 $0x40000, v0  }
0x9a: {  	v2 =	vshll.u32 v2, $0x9;
	v4 =	vadd.s32 v4, v8;
	[tilespmem:s22+$0x3100] =	vst v0;
	v0 =	vadd.s32 $0x40000, v6  }
0x9b: {  	v1 =	vshll.u32 v1, $0x9;
	v2 =	vadd.s32 v2, v10;
	[tilespmem:s22+$0x3110] =	vst v0;
	v0 =	vadd.s32 $0x40000, v4  }
0x9c: {  	v3 =	vshll.u32 v3, $0x9;
	v1 =	vadd.s32 v1, v11;
	[tilespmem:s22+$0x3120] =	vst v0;
	v0 =	vadd.s32 $0x40000, v2  }
0x9d: {  	v2 =	vshll.u32 v5, $0x9;
	[tilespmem:s22+$0x3130] =	vst v0;
	v0 =	vadd.s32 $0x40000, v1;
	v1 =	vadd.s32 v3, v9  }
0x9e: {  	[tilespmem:s22+$0x3140] =	vst v0;
	v0 =	vadd.s32 $0x40000, v1;
	v1 =	vadd.s32 v2, v7  }
0x9f: {  	[tilespmem:s22+$0x3150] =	vst v0;
	v0 =	vadd.s32 $0x40000, v1  }
0xa0: {  	[tilespmem:s22+$0x3160] =	vst v0  }
0xa1: {  	[spmem:s4] =	stream.indirect.scatter.add.f32 [tilespmem:s17], [sflag:$0x1], $0x1, s19, s18, $0xb8;
	[tilespmem:$0x1E208] =	vst v63  }
0xa2: {  	_ =	swait.ge [sflag:s16], $0x1880  }
0xa3: {  	[sflag:s16] =	ssyncset.done $0x0  }
0xa4: {  	s31 =	simm.s32 $0x0;
	[sflag:s16] =	ssyncadd.s32 $0xFFFFE780  }
0xa5: {  	[tilespmem:s31], [sflag:$0x1] =	stream.linear.gather [hbm4b:s11+s31], $0x1880, $0x38;
	[tilespmem:$0x1E208] =	vst v63  }
0xa6: {  	_ =	swait.ge [sflag:s16], $0x1880  }
0xa7: {  	[sflag:s16] =	ssyncset.done $0x0  }
0xa8: {  	[sflag:s16] =	ssyncadd.s32 $0xFFFFE780  }
0xa9: {  	[tilespmem:s18], [sflag:$0x1] =	stream.linear.gather [hbm4b:s12+s31], $0x1880, $0x38;
	[tilespmem:$0x1E208] =	vst v63  }
0xaa: {  	_ =	swait.ge [sflag:s16], $0x1880  }
0xab: {  	[sflag:s16] =	ssyncset.done $0x0  }
0xac: {  	s21 =	simm.s32 $0x0;
	[sflag:s16] =	ssyncadd.s32 $0xFFFFE780  }
0xad: {  	v0 =	vld [tilespmem:s21+$0x18F0]  }
0xae: {  	v1 =	vld [tilespmem:s21+$0x70]  }
0xaf: {  	v2 =	vld [tilespmem:s21+$0x1880]  }
0xb0: {  	v3 =	vld [tilespmem:s21+$0x1890]  }
0xb1: {  	v4 =	vld [tilespmem:s21+$0x18A0]  }
0xb2: {  	v5 =	vld [tilespmem:s21+$0x18B0]  }
0xb3: {  	v7 =	vld [tilespmem:s21+$0x18C0];
	v0 =	vshll.u32 v0, $0x9  }
0xb4: {  	v10 =	vld [tilespmem:s21+$0x18E0];
	v0 =	vadd.s32 v0, v1  }
0xb5: {  	v11 =	vld [tilespmem:s21+$0x10];
	v0 =	vadd.s32 $0x80000, v0  }
0xb6: {  	[tilespmem:s21+$0x3170] =	vst v0;
	v0 =	vld [tilespmem:s21+$0x0]  }
0xb7: {  	v1 =	vld [tilespmem:s21+$0x18D0]  }
0xb8: {  	v9 =	vld [tilespmem:s21+$0x20]  }
0xb9: {  	v6 =	vld [tilespmem:s21+$0x30];
	v63 =	vshll.u32 v2, $0x9  }
0xba: {  	v13 =	vshll.u32 v3, $0x9;
	v8 =	vshll.u32 v4, $0x9;
	v4 =	vshll.u32 v5, $0x9;
	v5 =	vld [tilespmem:s21+$0x40]  }
0xbb: {  	v2 =	vshll.u32 v7, $0x9;
	v3 =	vld [tilespmem:s21+$0x50];
	v11 =	vadd.s32 v13, v11;
	v7 =	vadd.s32 v63, v0  }
0xbc: {  	s23 =	simm.s32 $0x400;
	s22 =	simm.s32 $0x80;
	v1 =	vshll.u32 v1, $0x9;
	v0 =	vshll.u32 v10, $0x9;
	v10 =	vadd.s32 $0x80000, v7;
	v7 =	vld [tilespmem:s21+$0x60]  }
.LBB2_6:
0xbd: {  	p0 =	sne.s32 s23, $0x6000;
	v12 =	vld [tilespmem:s22+$0x18F0];
	[tilespmem:s21+$0x3100] =	vst v10;
	v10 =	vadd.s32 $0x80000, v11;
	v8 =	vadd.s32 v8, v9  }
0xbe: {  	v9 =	vld [tilespmem:s22+$0x70];
	[tilespmem:s21+$0x3110] =	vst v10;
	v8 =	vadd.s32 $0x80000, v8;
	v4 =	vadd.s32 v4, v6  }
0xbf: {  	v6 =	vld [tilespmem:s22+$0x1880];
	[tilespmem:s21+$0x3120] =	vst v8;
	v4 =	vadd.s32 $0x80000, v4;
	v2 =	vadd.s32 v2, v5  }
0xc0: {  	v5 =	vld [tilespmem:s22+$0x1890];
	[tilespmem:s21+$0x3130] =	vst v4;
	v2 =	vadd.s32 $0x80000, v2;
	v1 =	vadd.s32 v1, v3  }
0xc1: {  	v3 =	vld [tilespmem:s22+$0x18A0];
	[tilespmem:s21+$0x3140] =	vst v2;
	v1 =	vadd.s32 $0x80000, v1;
	v0 =	vadd.s32 v0, v7  }
0xc2: {  	v2 =	vld [tilespmem:s22+$0x18B0];
	v4 =	vshll.u32 v12, $0x9;
	[tilespmem:s21+$0x3150] =	vst v1;
	v0 =	vadd.s32 $0x80000, v0  }
0xc3: {  	v1 =	vld [tilespmem:s22+$0x18C0];
	v4 =	vadd.s32 v4, v9;
	[tilespmem:s21+$0x3160] =	vst v0;
	s21 =	smov.u32 s22  }
0xc4: {  	v7 =	vshll.u32 v6, $0x9;
	v0 =	vld [tilespmem:s21+$0x18D0];
	v4 =	vadd.s32 $0x80000, v4  }
0xc5: {  	v11 =	vshll.u32 v5, $0x9;
	v10 =	vld [tilespmem:s21+$0x18E0];
	[tilespmem:s21+$0x3170] =	vst v4  }
0xc6: {  	v12 =	vld [tilespmem:s21+$0x0];
	v8 =	vshll.u32 v3, $0x9  }
0xc7: {  	v13 =	vld [tilespmem:s21+$0x10];
	v4 =	vshll.u32 v2, $0x9  }
.Ltmp2:
0xc8: {  	v9 =	vld [tilespmem:s21+$0x20];
	v2 =	vshll.u32 v1, $0x9;
	(pc) =	sbr.rel @p0 .LBB2_6-.Ltmp2, $4  }
0xc9: {  	v6 =	vld [tilespmem:s21+$0x30];
	v1 =	vshll.u32 v0, $0x9  }
0xca: {  	v5 =	vld [tilespmem:s21+$0x40];
	v0 =	vshll.u32 v10, $0x9  }
0xcb: {  	v7 =	vadd.s32 v7, v12;
	v3 =	vld [tilespmem:s21+$0x50]  }
0xcc: {  	s22 =	sshra.s32 s23, $0x2;
	s23 =	sadd.s32 $0x200, s23;
	v10 =	vadd.s32 $0x80000, v7;
	v11 =	vadd.s32 v11, v13;
	v7 =	vld [tilespmem:s21+$0x60]  }
0xcd: {  	v12 =	vld [tilespmem:s22+$0x18F0];
	[tilespmem:s21+$0x3100] =	vst v10;
	v42 =	vadd.s32 $0x80000, v11;
	v8 =	vadd.s32 v8, v9  }
0xce: {  	v43 =	vld [tilespmem:s22+$0x70];
	[tilespmem:s21+$0x3110] =	vst v42;
	v8 =	vadd.s32 $0x80000, v8;
	v4 =	vadd.s32 v4, v6  }
0xcf: {  	v44 =	vld [tilespmem:s22+$0x1880];
	[tilespmem:s21+$0x3120] =	vst v8;
	v4 =	vadd.s32 $0x80000, v4;
	v2 =	vadd.s32 v2, v5  }
0xd0: {  	v45 =	vld [tilespmem:s22+$0x1890];
	[tilespmem:s21+$0x3130] =	vst v4;
	v2 =	vadd.s32 $0x80000, v2;
	v1 =	vadd.s32 v1, v3  }
0xd1: {  	v4 =	vld [tilespmem:s22+$0x18A0];
	[tilespmem:s21+$0x3140] =	vst v2;
	v1 =	vadd.s32 $0x80000, v1;
	v0 =	vadd.s32 v0, v7  }
0xd2: {  	v2 =	vld [tilespmem:s22+$0x18B0];
	[tilespmem:s21+$0x3150] =	vst v1;
	v0 =	vadd.s32 $0x80000, v0  }
0xd3: {  	v1 =	vld [tilespmem:s22+$0x18C0];
	[tilespmem:s21+$0x3160] =	vst v0  }
0xd4: {  	v48 =	vld [tilespmem:s22+$0x18D0]  }
0xd5: {  	v49 =	vld [tilespmem:s22+$0x18E0]  }
0xd6: {  	v50 =	vld [tilespmem:s22+$0x0]  }
0xd7: {  	v51 =	vld [tilespmem:s22+$0x10]  }
0xd8: {  	v46 =	vshll.u32 v12, $0x9;
	v8 =	vld [tilespmem:s22+$0x20]  }
0xd9: {  	v47 =	vadd.s32 v46, v43;
	v10 =	vld [tilespmem:s22+$0x30]  }
0xda: {  	v0 =	vadd.s32 $0x80000, v47;
	v9 =	vshll.u32 v44, $0x9;
	v52 =	vld [tilespmem:s22+$0x40]  }
0xdb: {  	v53 =	vld [tilespmem:s22+$0x50];
	[tilespmem:s22+$0x3170] =	vst v0;
	v6 =	vshll.u32 v45, $0x9;
	v0 =	vadd.s32 v9, v50  }
0xdc: {  	v54 =	vld [tilespmem:s22+$0x60];
	v4 =	vshll.u32 v4, $0x9;
	v6 =	vadd.s32 v6, v51;
	v0 =	vadd.s32 $0x80000, v0  }
0xdd: {  	v2 =	vshll.u32 v2, $0x9;
	v4 =	vadd.s32 v4, v8;
	v55 =	vadd.s32 $0x80000, v6;
	[tilespmem:s22+$0x3100] =	vst v0  }
0xde: {  	v1 =	vshll.u32 v1, $0x9;
	v2 =	vadd.s32 v2, v10;
	v56 =	vadd.s32 $0x80000, v4;
	[tilespmem:s22+$0x3110] =	vst v55  }
0xdf: {  	v3 =	vshll.u32 v48, $0x9;
	v1 =	vadd.s32 v1, v52;
	v57 =	vadd.s32 $0x80000, v2;
	[tilespmem:s22+$0x3120] =	vst v56  }
0xe0: {  	v58 =	vshll.u32 v49, $0x9;
	v59 =	vadd.s32 $0x80000, v1;
	v60 =	vadd.s32 v3, v53;
	[tilespmem:s22+$0x3130] =	vst v57  }
0xe1: {  	v62 =	vadd.s32 v58, v54;
	[tilespmem:s22+$0x3140] =	vst v59;
	v61 =	vadd.s32 $0x80000, v60  }
0xe2: {  	v63 =	vadd.s32 $0x80000, v62;
	[tilespmem:s22+$0x3150] =	vst v61  }
0xe3: {  	[tilespmem:s22+$0x3160] =	vst v63  }
0xe4: {  	[spmem:s4] =	stream.indirect.scatter.add.f32 [tilespmem:s17], [sflag:$0x1], $0x1, s19, s18, $0xb8;
	[tilespmem:$0x1E208] =	vst v63  }
0xe5: {  	_ =	swait.ge [sflag:s16], $0x1880  }
0xe6: {  	[sflag:s16] =	ssyncset.done $0x0  }
0xe7: {  	[sflag:s16] =	ssyncadd.s32 $0xFFFFE780  }
0xe8: {  	[bflag:$0x0] =	sbarrier.arrive $0xFFFF  }
0xe9: {  	[tilespmem:s15], [sflag:$0x1] =	stream.linear.gather [spmem:s6], $0xC000, $0x38;
	[tilespmem:$0x1E208] =	vst v63  }
0xea: {  	s20 =	sadd.s32 $0x1, s20;
	_ =	swait.ge [sflag:s16], $0xC000  }
0xeb: {  	p0 =	sne.s32 s20, s14;
	[sflag:s16] =	ssyncset.done $0x0  }
.Ltmp3:
0xec: {  	[sflag:s16] =	ssyncadd.s32 $0xFFFF4000;
	(pc) =	sbr.rel @p0 .LBB2_1-.Ltmp3, $4  }
0xed: {  	[hbm4b:s13+s5] =	stream.linear.scatter [tilespmem:s15], [sflag:$0x1], $0xC000, $0x38;
	[tilespmem:$0x1E208] =	vst v63  }
0xee: {  	_ =	swait.ge [sflag:s16], $0xC000  }
0xef: {  	[sflag:s16] =	ssyncset.done $0x0  }
0xf0: {  	[sflag:s16] =	ssyncadd.s32 $0xFFFF4000  }
0xf1: {  	_ =	sfence.sel $0x180000  }
0xf2: {  	[bflag:$0x0] =	sbarrier.arrive $0xFFFF  }
0xf3: {  	p0 =	sne.s32 s3, $0x0;
	_ =	strace $0x90000047  }
0xf4: {  	s0 =	sadd.s32 @!p0 $0x100000, s0;
	[bflag:$0x2] =	sbarrier.arrive $0xFFFF  }
0xf5: {  	[sflag:s0] =	ssyncadd.tile.s32 @!p0 $0x1;
	_ =	shalt  }
.Lfunc_end2:
_tile_overlayer_lowered:
.L_overlay_start_2:
0xf6: {  	(tag) =	ssettag $0x2  }
0xf7: {  	s0 =	rddreg [dreg:$0x0];
	s2 =	stileid.u32  }
0xf8: {  	s1 =	rddreg [dreg:$0x1];
	p0 =	sne.s32 s2, $0x0  }
0xf9: {  	s3 =	rddreg [dreg:$0x2];
	[bflag:$0x3] =	sbarrier.arrive $0xFFFF;
	s2 =	simm.s32 @!p0 $0x1C01  }
0xfa: {  	[timem:s3], [sflag:s2] =	dma.local @!p0 [hbm:s0], s1  }
0xfb: {  	s0 =	simm.s32 @!p0 $0x1  }
0xfc: {  	_ =	swait.ge @!p0 [sflag:s0], s1  }
0xfd: {  	s1 =	ssub.s32 @!p0 $0x0, s1;
	[sflag:s0] =	ssyncset.done @!p0 $0x0  }
0xfe: {  	[sflag:s0] =	ssyncadd.s32 @!p0 s1  }
0xff: {  	[bflag:$0x3] =	sbarrier.arrive $0xFFFF  }
0x100: {  	_ =	shalt  }

</sc_bundles>
